<compile_context>
chip_gen: v7x
topology: tpu7x:2x2x1
jax: 0.10.2.dev20260603
libtpu: 0.0.44.dev20260713+nightly
codegen_flags: <defaults>
</compile_context>

<pallas_src>
import jax
import jax.numpy as jnp
from jax import lax
from jax.experimental import pallas as pl
from jax.experimental.pallas import tpu as pltpu
from jax.experimental.pallas import tpu_sc as plsc

N = 10000
E = 320000
F_IN = 128
H = 256
G = 64
HH = H // 2
NC = 2
NT = 16
NPAD = 10112
STRIPE = NPAD // NT
PAD_ROW = N

CHUNK = 128
BCH = 32
NB = 5
CPT = BCH * NB
EPT = CPT * CHUNK
DCPT = 79
DEPT = DCPT * CHUNK

def _sc_mesh():
    return plsc.VectorSubcoreMesh(core_axis_name="c", subcore_axis_name="s")



def _deg_body(dst_hbm, ones_hbm, zeros_hbm, out_hbm, dst_v, ones_v, acc, sem):
    cid = lax.axis_index("c")
    tid = lax.axis_index("s")
    g = cid * NT + tid
    pltpu.sync_copy(dst_hbm.at[g], dst_v)
    pltpu.sync_copy(ones_hbm, ones_v)
    pltpu.sync_copy(zeros_hbm.at[pl.ds(tid * STRIPE, STRIPE)],
                    acc.at[pl.ds(tid * STRIPE, STRIPE)])
    plsc.subcore_barrier()

    def body(c, carry):
        pltpu.sync_copy(ones_v, acc.at[dst_v.at[c]], add=True)
        return carry

    lax.fori_loop(0, DCPT, body, 0)
    plsc.subcore_barrier()
    pltpu.sync_copy(acc.at[pl.ds(tid * STRIPE, STRIPE)],
                    out_hbm.at[cid, pl.ds(tid * STRIPE, STRIPE)])


def _sc_deg(dst3, ones128, zerosH):
    kern = pl.kernel(
        _deg_body,
        mesh=_sc_mesh(),
        out_type=jax.ShapeDtypeStruct((NC, NPAD, HH), jnp.float32),
        scratch_types=[
            pltpu.VMEM((DCPT, CHUNK), jnp.int32),
            pltpu.VMEM((CHUNK, HH), jnp.float32),
            pltpu.VMEM_SHARED((NPAD, HH), jnp.float32),
            pltpu.SemaphoreType.DMA,
        ],
    )
    return kern(dst3, ones128, zerosH)


def _agg_body(table_hbm, src_hbm, dst_hbm, zeros_hbm, out_hbm,
              src_v, dst_v, buf0, buf1, acc, sem0, sem1):
    cid = lax.axis_index("c")
    tid = lax.axis_index("s")
    bufs = (buf0, buf1)
    sems = (sem0, sem1)
    pltpu.sync_copy(zeros_hbm.at[pl.ds(tid * STRIPE, STRIPE)],
                    acc.at[pl.ds(tid * STRIPE, STRIPE)])
    plsc.subcore_barrier()

    def batch_body(b, carry):
        pltpu.sync_copy(src_hbm.at[cid, tid, pl.ds(b * BCH, BCH)], src_v)
        pltpu.sync_copy(dst_hbm.at[tid, pl.ds(b * BCH, BCH)], dst_v)
        pltpu.async_copy(table_hbm.at[src_v.at[0]], buf0, sem0)
        pltpu.async_copy(table_hbm.at[src_v.at[1]], buf1, sem1)

        def pair_body(p, carry2):
            for j in range(2):
                c = 2 * p + j
                pltpu.make_async_copy(table_hbm.at[src_v.at[c]],
                                      bufs[j], sems[j]).wait()
                pltpu.sync_copy(bufs[j], acc.at[dst_v.at[c]], add=True)

                @pl.when(c + 2 < BCH)
                def _():
                    pltpu.async_copy(table_hbm.at[src_v.at[c + 2]],
                                     bufs[j], sems[j])
            return carry2

        return lax.fori_loop(0, BCH // 2, pair_body, carry)

    lax.fori_loop(0, NB, batch_body, 0)
    plsc.subcore_barrier()
    pltpu.sync_copy(acc.at[pl.ds(tid * STRIPE, STRIPE)],
                    out_hbm.at[cid, pl.ds(tid * STRIPE, STRIPE)])


def _sc_agg(table, src3, dst3, zerosH):
    kern = pl.kernel(
        _agg_body,
        mesh=_sc_mesh(),
        out_type=jax.ShapeDtypeStruct((NC, NPAD, HH), jnp.float32),
        scratch_types=[
            pltpu.VMEM((BCH, CHUNK), jnp.int32),
            pltpu.VMEM((BCH, CHUNK), jnp.int32),
            pltpu.VMEM((CHUNK, HH), jnp.float32),
            pltpu.VMEM((CHUNK, HH), jnp.float32),
            pltpu.VMEM_SHARED((NPAD, HH), jnp.float32),
            pltpu.SemaphoreType.DMA,
            pltpu.SemaphoreType.DMA,
        ],
    )
    return kern(table, src3, dst3, zerosH)



TM = 1000


def _mm_bf16(a, w):
    return jnp.dot(a.astype(jnp.bfloat16), w.astype(jnp.bfloat16),
                   preferred_element_type=jnp.float32)


def _enc_body(x_ref, w_ref, b_ref, o_ref):
    y = _mm_bf16(x_ref[...], w_ref[...])
    o_ref[...] = jnp.maximum(y + b_ref[...], 0.0)


def _k_enc(x, w, b):
    return pl.pallas_call(
        _enc_body,
        grid=(N // TM,),
        in_specs=[
            pl.BlockSpec((TM, F_IN), lambda i: (i, 0)),
            pl.BlockSpec((F_IN, H), lambda i: (0, 0)),
            pl.BlockSpec((1, H), lambda i: (0, 0)),
        ],
        out_specs=pl.BlockSpec((TM, H), lambda i: (i, 0)),
        out_shape=jax.ShapeDtypeStruct((N, H), jnp.float32),
    )(x, w, b.reshape(1, H))


def _dinv_of(deg_blk):
    d = 1.0 + deg_blk[0, :, :1] + deg_blk[1, :, :1]
    r = lax.rsqrt(d)
    return r * (1.5 - 0.5 * d * r * r)


def _mm_scale_body(h_ref, w_ref, deg_ref, o_ref):
    y = _mm_bf16(h_ref[...], w_ref[...])
    y = y * _dinv_of(deg_ref[...])
    o_ref[0] = y[:, :HH]
    o_ref[1] = y[:, HH:]


def _k_mm_scale(h, w, deg):
    return pl.pallas_call(
        _mm_scale_body,
        grid=(N // TM,),
        in_specs=[
            pl.BlockSpec((TM, H), lambda i: (i, 0)),
            pl.BlockSpec((H, H), lambda i: (0, 0)),
            pl.BlockSpec((NC, TM, HH), lambda i: (0, i, 0)),
        ],
        out_specs=pl.BlockSpec((NC, TM, HH), lambda i: (0, i, 0)),
        out_shape=jax.ShapeDtypeStruct((NC, N, HH), jnp.float32),
    )(h, w, deg)


def _mm_combine_scale_body(agg_ref, hp_ref, deg_ref, b_ref, w_ref, o_ref):
    dinv = _dinv_of(deg_ref[...])
    s0 = (agg_ref[0] + hp_ref[0]) * dinv
    s1 = (agg_ref[1] + hp_ref[1]) * dinv
    h = jnp.maximum(jnp.concatenate([s0, s1], axis=1) + b_ref[...], 0.0)
    y = _mm_bf16(h, w_ref[...]) * dinv
    o_ref[0] = y[:, :HH]
    o_ref[1] = y[:, HH:]


def _k_mm_combine_scale(agg, hp, deg, b, w):
    return pl.pallas_call(
        _mm_combine_scale_body,
        grid=(N // TM,),
        in_specs=[
            pl.BlockSpec((NC, TM, HH), lambda i: (0, i, 0)),
            pl.BlockSpec((NC, TM, HH), lambda i: (0, i, 0)),
            pl.BlockSpec((NC, TM, HH), lambda i: (0, i, 0)),
            pl.BlockSpec((1, H), lambda i: (0, 0)),
            pl.BlockSpec((H, H), lambda i: (0, 0)),
        ],
        out_specs=pl.BlockSpec((NC, TM, HH), lambda i: (0, i, 0)),
        out_shape=jax.ShapeDtypeStruct((NC, N, HH), jnp.float32),
    )(agg, hp, deg, b.reshape(1, H), w)


def _head_body(agg_ref, hp_ref, deg_ref, b_ref, batch_ref,
               w1_ref, b1_ref, w2_ref, b2_ref, o_ref):
    dinv = _dinv_of(deg_ref[...])
    s0 = (agg_ref[0] + hp_ref[0]) * dinv
    s1 = (agg_ref[1] + hp_ref[1]) * dinv
    h = jnp.maximum(jnp.concatenate([s0, s1], axis=1) + b_ref[...], 0.0)
    gids = lax.broadcasted_iota(jnp.int32, (G, 1), 0).astype(jnp.float32)
    ind = (gids == batch_ref[...]).astype(jnp.float32)
    summed = jnp.dot(ind, h,
                     preferred_element_type=jnp.float32,
                     precision=lax.Precision.HIGHEST)
    counts = jnp.sum(ind, axis=1, keepdims=True)
    pooled = summed / jnp.maximum(counts, 1.0)
    m = jnp.maximum(_mm_bf16(pooled, w1_ref[...]) + b1_ref[...], 0.0)
    o_ref[...] = _mm_bf16(m, w2_ref[...]) + b2_ref[...]


def _k_head(agg, hp, deg, b, batch_f, w1, b1, w2p, b2p):
    return pl.pallas_call(
        _head_body,
        grid=(1,),
        in_specs=[
            pl.BlockSpec((NC, N, HH), lambda i: (0, 0, 0)),
            pl.BlockSpec((NC, N, HH), lambda i: (0, 0, 0)),
            pl.BlockSpec((NC, N, HH), lambda i: (0, 0, 0)),
            pl.BlockSpec((1, H), lambda i: (0, 0)),
            pl.BlockSpec((1, N), lambda i: (0, 0)),
            pl.BlockSpec((H, H), lambda i: (0, 0)),
            pl.BlockSpec((1, H), lambda i: (0, 0)),
            pl.BlockSpec((H, 128), lambda i: (0, 0)),
            pl.BlockSpec((1, 128), lambda i: (0, 0)),
        ],
        out_specs=pl.BlockSpec((G, 128), lambda i: (0, 0)),
        out_shape=jax.ShapeDtypeStruct((G, 128), jnp.float32),
    )(agg, hp, deg, b.reshape(1, H), batch_f, w1, b1.reshape(1, H),
      w2p, b2p.reshape(1, 128))



def kernel(x, edge_index, batch, W_enc, b_enc, W_g1, b_g1, W_g2, b_g2,
           W_g3, b_g3, W_m1, b_m1, W_m2, b_m2):
    src = edge_index[0]
    dst = edge_index[1]

    pad_a = NT * EPT - E
    src_p = jnp.concatenate([src, jnp.zeros((pad_a,), jnp.int32)])
    dst_p = jnp.concatenate([dst, jnp.full((pad_a,), PAD_ROW, jnp.int32)])
    src3 = jnp.stack([src_p, src_p + N]).reshape(NC, NT, CPT, CHUNK)
    dst3 = dst_p.reshape(NT, CPT, CHUNK)

    pad_d = NC * NT * DEPT - E
    dstd = jnp.concatenate([dst, jnp.full((pad_d,), PAD_ROW, jnp.int32)])
    dstd = dstd.reshape(NC * NT, DCPT, CHUNK)

    ones128 = jnp.ones((CHUNK, HH), jnp.float32)
    zerosH = jnp.zeros((NPAD, HH), jnp.float32)

    deg = _sc_deg(dstd, ones128, zerosH)
    degN = deg[:, :N, :]
    h = _k_enc(x, W_enc, b_enc)

    hp = _k_mm_scale(h, W_g1, degN)
    agg = _sc_agg(hp.reshape(NC * N, HH), src3, dst3, zerosH)
    for (W, b_prev) in ((W_g2, b_g1), (W_g3, b_g2)):
        hp = _k_mm_combine_scale(agg[:, :N, :], hp, degN, b_prev, W)
        agg = _sc_agg(hp.reshape(NC * N, HH), src3, dst3, zerosH)
    batch_f = batch.astype(jnp.float32).reshape(1, N)
    w2p = jnp.pad(W_m2, ((0, 0), (0, 127)))
    b2p = jnp.pad(b_m2, (0, 127))
    out = _k_head(agg[:, :N, :], hp, degN, b_g3, batch_f, W_m1, b_m1,
                  w2p, b2p)
    return out[:, 0]

# --- scband reference (transcript-rebuilt; emitter-appended) ---
"""Pipeline reference for scband-pipeline-predictor-10222022165154 (READ-ONLY COPY).

The authoritative reference and input builder live on the scoring server;
editing this copy changes nothing except your own understanding.
"""

import jax, jax.numpy as jnp
import numpy as np

N = 10000
E = 320000
F_IN = 128
H = 256
G = 64
NUM_GNN_LAYERS = 3


def setup_inputs(seed: int = 0) -> dict:
    key = jax.random.key(seed)
    ks = jax.random.split(key, 16)
    x = jax.random.normal(ks[0], (N, F_IN), dtype=jnp.float32)
    edge_index = jax.random.randint(ks[1], (2, E), 0, N, dtype=jnp.int32)
    batch = jnp.sort(jax.random.randint(ks[2], (N,), 0, G, dtype=jnp.int32))
    s = 0.05
    W_enc = jax.random.normal(ks[3], (F_IN, H), dtype=jnp.float32) * s
    b_enc = jnp.zeros((H,), dtype=jnp.float32)
    W_g1 = jax.random.normal(ks[4], (H, H), dtype=jnp.float32) * s
    b_g1 = jnp.zeros((H,), dtype=jnp.float32)
    W_g2 = jax.random.normal(ks[5], (H, H), dtype=jnp.float32) * s
    b_g2 = jnp.zeros((H,), dtype=jnp.float32)
    W_g3 = jax.random.normal(ks[6], (H, H), dtype=jnp.float32) * s
    b_g3 = jnp.zeros((H,), dtype=jnp.float32)
    W_m1 = jax.random.normal(ks[7], (H, H), dtype=jnp.float32) * s
    b_m1 = jnp.zeros((H,), dtype=jnp.float32)
    W_m2 = jax.random.normal(ks[8], (H, 1), dtype=jnp.float32) * s
    b_m2 = jnp.zeros((1,), dtype=jnp.float32)
    return {"x": x, "edge_index": edge_index, "batch": batch,
            "W_enc": W_enc, "b_enc": b_enc,
            "W_g1": W_g1, "b_g1": b_g1, "W_g2": W_g2, "b_g2": b_g2,
            "W_g3": W_g3, "b_g3": b_g3,
            "W_m1": W_m1, "b_m1": b_m1, "W_m2": W_m2, "b_m2": b_m2}


def _gcn_conv(h, src, dst, W, b):
    # GCNConv: add self-loops, symmetric normalization, linear transform, scatter-add
    h = h @ W
    deg = jnp.zeros((N,), dtype=h.dtype).at[dst].add(1.0)
    dinv = jax.lax.rsqrt(jnp.where(deg > 0, deg, 1.0))
    norm = dinv[src] * dinv[dst]
    msg = h[src] * norm[:, None]
    out = jnp.zeros((N, h.shape[1]), dtype=h.dtype).at[dst].add(msg)
    return out + b


def reference(x, edge_index, batch, W_enc, b_enc, W_g1, b_g1, W_g2, b_g2, W_g3, b_g3, W_m1, b_m1, W_m2, b_m2):
    self_loops = jnp.arange(N, dtype=edge_index.dtype)
    src = jnp.concatenate([edge_index[0], self_loops])
    dst = jnp.concatenate([edge_index[1], self_loops])
    # node encoder
    h = jax.nn.relu(x @ W_enc + b_enc)
    # GNN layers (dropout is identity in eval mode)
    for (W, b) in ((W_g1, b_g1), (W_g2, b_g2), (W_g3, b_g3)):
        h = jax.nn.relu(_gcn_conv(h, src, dst, W, b))
    # global mean pool
    summed = jax.ops.segment_sum(h, batch, num_segments=G)
    counts = jax.ops.segment_sum(jnp.ones((N,), dtype=h.dtype), batch, num_segments=G)
    pooled = summed / jnp.maximum(counts, 1.0)[:, None]
    # MLP head
    m = jax.nn.relu(pooled @ W_m1 + b_m1)
    out = (m @ W_m2 + b_m2).squeeze(-1)
    return out

if __name__ == "__main__":
    import jax
    _d = setup_inputs()
    print(jax.jit(kernel)(*tuple(_d.values())))

</pallas_src>

<mosaic_0001>
#map = affine_map<(d0, d1) -> (0, 0)>
#map1 = affine_map<(d0, d1) -> (0, 0, 0, 0)>
#map2 = affine_map<(d0, d1) -> (0, 0, 0)>
module attributes {stable_mosaic.version = 14 : i64} {
  func.func @_agg_body(%arg0: i32, %arg1: i32, %arg2: memref<20000x128xf32, #tpu.memory_space<hbm>>, %arg3: memref<2x16x160x128xi32, #tpu.memory_space<hbm>>, %arg4: memref<16x160x128xi32, #tpu.memory_space<hbm>>, %arg5: memref<10112x128xf32, #tpu.memory_space<hbm>>, %arg6: memref<2x10112x128xf32, #tpu.memory_space<hbm>>, %arg7: memref<32x128xi32, #tpu.memory_space<vmem>>, %arg8: memref<32x128xi32, #tpu.memory_space<vmem>>, %arg9: memref<128x128xf32, #tpu.memory_space<vmem>>, %arg10: memref<128x128xf32, #tpu.memory_space<vmem>>, %arg11: memref<10112x128xf32, #tpu.memory_space<vmem_shared>>, %arg12: memref<!tpu.dma_semaphore, #tpu.memory_space<semaphore_mem>>, %arg13: memref<!tpu.dma_semaphore, #tpu.memory_space<semaphore_mem>>) attributes {dimension_semantics = [#tpu.dimension_semantics<core_parallel>, #tpu.dimension_semantics<subcore_parallel>], iteration_bounds = array<i64: 2, 16>, scalar_prefetch = 0 : i64, scratch_operands = 7 : i64, tpu.core_type = #tpu.core_type<sc_vector_subcore>, window_params = [{transform_indices = #map}, {transform_indices = #map1}, {transform_indices = #map2}, {transform_indices = #map}, {transform_indices = #map2}]} {
    %mul3A = arith.constant 632 : i32
    %mul3A_0 = arith.muli %arg1, %mul3A : i32
    %mul3A_1 = arith.constant 632 : i32
    %mul3A_2 = arith.muli %arg1, %mul3A_1 : i32
    "tpu.region"() ({
      %run_scoped3A = tpu.sem_alloc : memref<!tpu.dma_semaphore, #tpu.memory_space<semaphore_mem>>
      %dma_start3A = arith.constant 0 : i32
      %dma_start3A_13 = tpu.memref_slice %arg11[%mul3A_2, %dma_start3A] : memref<10112x128xf32, #tpu.memory_space<vmem_shared>> -> memref<632x128xf32, #tpu.memory_space<vmem_shared>>
      %dma_start3A_14 = arith.constant 0 : i32
      %dma_start3A_15 = tpu.memref_slice %arg5[%mul3A_0, %dma_start3A_14] : memref<10112x128xf32, #tpu.memory_space<hbm>> -> memref<632x128xf32, #tpu.memory_space<hbm>>
      tpu.enqueue_dma source(%dma_start3A_15 : memref<632x128xf32, #tpu.memory_space<hbm>>) target(%dma_start3A_13 : memref<632x128xf32, #tpu.memory_space<vmem_shared>>) target_semaphore(%run_scoped3A : memref<!tpu.dma_semaphore, #tpu.memory_space<semaphore_mem>>)
      %dma_wait3A = arith.constant 0 : i32
      %dma_wait3A_16 = tpu.memref_slice %arg11[%mul3A_2, %dma_wait3A] : memref<10112x128xf32, #tpu.memory_space<vmem_shared>> -> memref<632x128xf32, #tpu.memory_space<vmem_shared>>
      %dma_wait3A_17 = arith.constant 0 : i32
      %dma_wait3A_18 = tpu.memref_slice %arg5[%mul3A_0, %dma_wait3A_17] : memref<10112x128xf32, #tpu.memory_space<hbm>> -> memref<632x128xf32, #tpu.memory_space<hbm>>
      tpu.wait_dma2 semaphore(%run_scoped3A : memref<!tpu.dma_semaphore, #tpu.memory_space<semaphore_mem>>) src(%dma_wait3A_18 : memref<632x128xf32, #tpu.memory_space<hbm>>) dst(%dma_wait3A_16 : memref<632x128xf32, #tpu.memory_space<vmem_shared>>)
      tpu.yield
    }) : () -> ()
    %barrier3A = arith.constant 0 : index
    tpu.barrier barrier_id(%barrier3A)
    %scan3A = arith.constant 0 : i32
    %scan3A_3 = arith.constant 0 : i32
    %scan3A_4 = arith.constant 5 : i32
    %scan3A_5 = arith.addi %scan3A_3, %scan3A_4 : i32
    %scan3A_6 = arith.constant 1 : i32
    scf.for %scan3A_13 = %scan3A_3 to %scan3A_5 step %scan3A_6  : i32 {
      %mul3A_14 = arith.constant 32 : i32
      %mul3A_15 = arith.muli %scan3A_13, %mul3A_14 : i32
      "tpu.region"() ({
        %run_scoped3A = tpu.sem_alloc : memref<!tpu.dma_semaphore, #tpu.memory_space<semaphore_mem>>
        %dma_start3A_36 = arith.constant 0 : i32
        %dma_start3A_37 = tpu.memref_slice %arg3[%arg0, %arg1, %mul3A_15, %dma_start3A_36] : memref<2x16x160x128xi32, #tpu.memory_space<hbm>> -> memref<1x1x32x128xi32, #tpu.memory_space<hbm>>
        %dma_start3A_38 = tpu.memref_squeeze %dma_start3A_37 : memref<1x1x32x128xi32, #tpu.memory_space<hbm>> -> memref<32x128xi32, #tpu.memory_space<hbm>>
        %dma_start3A_39 = arith.constant 0 : i32
        %dma_start3A_40 = tpu.memref_slice %arg3[%arg0, %arg1, %mul3A_15, %dma_start3A_39] : memref<2x16x160x128xi32, #tpu.memory_space<hbm>> -> memref<1x1x32x128xi32, #tpu.memory_space<hbm>>
        %dma_start3A_41 = tpu.memref_squeeze %dma_start3A_40 : memref<1x1x32x128xi32, #tpu.memory_space<hbm>> -> memref<32x128xi32, #tpu.memory_space<hbm>>
        tpu.enqueue_dma source(%dma_start3A_41 : memref<32x128xi32, #tpu.memory_space<hbm>>) target(%arg7 : memref<32x128xi32, #tpu.memory_space<vmem>>) target_semaphore(%run_scoped3A : memref<!tpu.dma_semaphore, #tpu.memory_space<semaphore_mem>>)
        %dma_wait3A = arith.constant 0 : i32
        %dma_wait3A_42 = tpu.memref_slice %arg3[%arg0, %arg1, %mul3A_15, %dma_wait3A] : memref<2x16x160x128xi32, #tpu.memory_space<hbm>> -> memref<1x1x32x128xi32, #tpu.memory_space<hbm>>
        %dma_wait3A_43 = tpu.memref_squeeze %dma_wait3A_42 : memref<1x1x32x128xi32, #tpu.memory_space<hbm>> -> memref<32x128xi32, #tpu.memory_space<hbm>>
        %dma_wait3A_44 = arith.constant 0 : i32
        %dma_wait3A_45 = tpu.memref_slice %arg3[%arg0, %arg1, %mul3A_15, %dma_wait3A_44] : memref<2x16x160x128xi32, #tpu.memory_space<hbm>> -> memref<1x1x32x128xi32, #tpu.memory_space<hbm>>
        %dma_wait3A_46 = tpu.memref_squeeze %dma_wait3A_45 : memref<1x1x32x128xi32, #tpu.memory_space<hbm>> -> memref<32x128xi32, #tpu.memory_space<hbm>>
        tpu.wait_dma2 semaphore(%run_scoped3A : memref<!tpu.dma_semaphore, #tpu.memory_space<semaphore_mem>>) src(%dma_wait3A_46 : memref<32x128xi32, #tpu.memory_space<hbm>>) dst(%arg7 : memref<32x128xi32, #tpu.memory_space<vmem>>)
        tpu.yield
      }) : () -> ()
      %mul3A_16 = arith.constant 32 : i32
      %mul3A_17 = arith.muli %scan3A_13, %mul3A_16 : i32
      "tpu.region"() ({
        %run_scoped3A = tpu.sem_alloc : memref<!tpu.dma_semaphore, #tpu.memory_space<semaphore_mem>>
        %dma_start3A_36 = arith.constant 0 : i32
        %dma_start3A_37 = tpu.memref_slice %arg4[%arg1, %mul3A_17, %dma_start3A_36] : memref<16x160x128xi32, #tpu.memory_space<hbm>> -> memref<1x32x128xi32, #tpu.memory_space<hbm>>
        %dma_start3A_38 = tpu.memref_squeeze %dma_start3A_37 : memref<1x32x128xi32, #tpu.memory_space<hbm>> -> memref<32x128xi32, #tpu.memory_space<hbm>>
        %dma_start3A_39 = arith.constant 0 : i32
        %dma_start3A_40 = tpu.memref_slice %arg4[%arg1, %mul3A_17, %dma_start3A_39] : memref<16x160x128xi32, #tpu.memory_space<hbm>> -> memref<1x32x128xi32, #tpu.memory_space<hbm>>
        %dma_start3A_41 = tpu.memref_squeeze %dma_start3A_40 : memref<1x32x128xi32, #tpu.memory_space<hbm>> -> memref<32x128xi32, #tpu.memory_space<hbm>>
        tpu.enqueue_dma source(%dma_start3A_41 : memref<32x128xi32, #tpu.memory_space<hbm>>) target(%arg8 : memref<32x128xi32, #tpu.memory_space<vmem>>) target_semaphore(%run_scoped3A : memref<!tpu.dma_semaphore, #tpu.memory_space<semaphore_mem>>)
        %dma_wait3A = arith.constant 0 : i32
        %dma_wait3A_42 = tpu.memref_slice %arg4[%arg1, %mul3A_17, %dma_wait3A] : memref<16x160x128xi32, #tpu.memory_space<hbm>> -> memref<1x32x128xi32, #tpu.memory_space<hbm>>
        %dma_wait3A_43 = tpu.memref_squeeze %dma_wait3A_42 : memref<1x32x128xi32, #tpu.memory_space<hbm>> -> memref<32x128xi32, #tpu.memory_space<hbm>>
        %dma_wait3A_44 = arith.constant 0 : i32
        %dma_wait3A_45 = tpu.memref_slice %arg4[%arg1, %mul3A_17, %dma_wait3A_44] : memref<16x160x128xi32, #tpu.memory_space<hbm>> -> memref<1x32x128xi32, #tpu.memory_space<hbm>>
        %dma_wait3A_46 = tpu.memref_squeeze %dma_wait3A_45 : memref<1x32x128xi32, #tpu.memory_space<hbm>> -> memref<32x128xi32, #tpu.memory_space<hbm>>
        tpu.wait_dma2 semaphore(%run_scoped3A : memref<!tpu.dma_semaphore, #tpu.memory_space<semaphore_mem>>) src(%dma_wait3A_46 : memref<32x128xi32, #tpu.memory_space<hbm>>) dst(%arg8 : memref<32x128xi32, #tpu.memory_space<vmem>>)
        tpu.yield
      }) : () -> ()
      %dma_start3A = arith.constant 0 : i32
      %dma_start3A_18 = arith.constant 0 : i32
      %dma_start3A_19 = tpu.memref_slice %arg7[%dma_start3A, %dma_start3A_18] : memref<32x128xi32, #tpu.memory_space<vmem>> -> memref<1x128xi32, #tpu.memory_space<vmem>>
      %dma_start3A_20 = tpu.memref_squeeze %dma_start3A_19 : memref<1x128xi32, #tpu.memory_space<vmem>> -> memref<128xi32, #tpu.memory_space<vmem>>
      %dma_start3A_21 = arith.constant 0 : i32
      %dma_start3A_22 = arith.constant 0 : i32
      %dma_start3A_23 = tpu.memref_slice %arg2[%dma_start3A_21, %dma_start3A_22] : memref<20000x128xf32, #tpu.memory_space<hbm>> -> memref<20000x128xf32, #tpu.memory_space<hbm>>
      tpu.enqueue_indirect_dma source(%dma_start3A_23 : memref<20000x128xf32, #tpu.memory_space<hbm>>) target(%arg9 : memref<128x128xf32, #tpu.memory_space<vmem>>) offsets(%dma_start3A_20 : memref<128xi32, #tpu.memory_space<vmem>>) semaphore(%arg12 : memref<!tpu.dma_semaphore, #tpu.memory_space<semaphore_mem>>)
      %dma_start3A_24 = arith.constant 1 : i32
      %dma_start3A_25 = arith.constant 0 : i32
      %dma_start3A_26 = tpu.memref_slice %arg7[%dma_start3A_24, %dma_start3A_25] : memref<32x128xi32, #tpu.memory_space<vmem>> -> memref<1x128xi32, #tpu.memory_space<vmem>>
      %dma_start3A_27 = tpu.memref_squeeze %dma_start3A_26 : memref<1x128xi32, #tpu.memory_space<vmem>> -> memref<128xi32, #tpu.memory_space<vmem>>
      %dma_start3A_28 = arith.constant 0 : i32
      %dma_start3A_29 = arith.constant 0 : i32
      %dma_start3A_30 = tpu.memref_slice %arg2[%dma_start3A_28, %dma_start3A_29] : memref<20000x128xf32, #tpu.memory_space<hbm>> -> memref<20000x128xf32, #tpu.memory_space<hbm>>
      tpu.enqueue_indirect_dma source(%dma_start3A_30 : memref<20000x128xf32, #tpu.memory_space<hbm>>) target(%arg10 : memref<128x128xf32, #tpu.memory_space<vmem>>) offsets(%dma_start3A_27 : memref<128xi32, #tpu.memory_space<vmem>>) semaphore(%arg13 : memref<!tpu.dma_semaphore, #tpu.memory_space<semaphore_mem>>)
      %scan3A_31 = arith.constant 0 : i32
      %scan3A_32 = arith.constant 16 : i32
      %scan3A_33 = arith.addi %scan3A_31, %scan3A_32 : i32
      %scan3A_34 = arith.constant 1 : i32
      scf.for %scan3A_36 = %scan3A_31 to %scan3A_33 step %scan3A_34  : i32 {
        %mul3A_37 = arith.constant 2 : i32
        %mul3A_38 = arith.muli %mul3A_37, %scan3A_36 : i32
        %add3A = arith.constant 0 : i32
        %add3A_39 = arith.addi %mul3A_38, %add3A : i32
        %dma_wait3A = arith.constant 0 : i32
        %dma_wait3A_40 = tpu.memref_slice %arg7[%add3A_39, %dma_wait3A] : memref<32x128xi32, #tpu.memory_space<vmem>> -> memref<1x128xi32, #tpu.memory_space<vmem>>
        %dma_wait3A_41 = tpu.memref_squeeze %dma_wait3A_40 : memref<1x128xi32, #tpu.memory_space<vmem>> -> memref<128xi32, #tpu.memory_space<vmem>>
        %dma_wait3A_42 = arith.constant 0 : i32
        %dma_wait3A_43 = arith.constant 0 : i32
        %dma_wait3A_44 = tpu.memref_slice %arg2[%dma_wait3A_42, %dma_wait3A_43] : memref<20000x128xf32, #tpu.memory_space<hbm>> -> memref<20000x128xf32, #tpu.memory_space<hbm>>
        tpu.wait_indirect_dma semaphore(%arg12 : memref<!tpu.dma_semaphore, #tpu.memory_space<semaphore_mem>>) src(%dma_wait3A_44 : memref<20000x128xf32, #tpu.memory_space<hbm>>) dst(%arg9 : memref<128x128xf32, #tpu.memory_space<vmem>>)
        "tpu.region"() ({
          %run_scoped3A = tpu.sem_alloc : memref<!tpu.dma_semaphore, #tpu.memory_space<semaphore_mem>>
          %dma_start3A_66 = arith.constant 0 : i32
          %dma_start3A_67 = tpu.memref_slice %arg8[%add3A_39, %dma_start3A_66] : memref<32x128xi32, #tpu.memory_space<vmem>> -> memref<1x128xi32, #tpu.memory_space<vmem>>
          %dma_start3A_68 = tpu.memref_squeeze %dma_start3A_67 : memref<1x128xi32, #tpu.memory_space<vmem>> -> memref<128xi32, #tpu.memory_space<vmem>>
          %dma_start3A_69 = arith.constant 0 : i32
          %dma_start3A_70 = arith.constant 0 : i32
          %dma_start3A_71 = tpu.memref_slice %arg11[%dma_start3A_69, %dma_start3A_70] : memref<10112x128xf32, #tpu.memory_space<vmem_shared>> -> memref<10112x128xf32, #tpu.memory_space<vmem_shared>>
          tpu.enqueue_indirect_dma source(%arg9 : memref<128x128xf32, #tpu.memory_space<vmem>>) target(%dma_start3A_71 : memref<10112x128xf32, #tpu.memory_space<vmem_shared>>) offsets(%dma_start3A_68 : memref<128xi32, #tpu.memory_space<vmem>>) semaphore(%run_scoped3A : memref<!tpu.dma_semaphore, #tpu.memory_space<semaphore_mem>>) {add = true}
          %dma_wait3A_72 = arith.constant 0 : i32
          %dma_wait3A_73 = tpu.memref_slice %arg8[%add3A_39, %dma_wait3A_72] : memref<32x128xi32, #tpu.memory_space<vmem>> -> memref<1x128xi32, #tpu.memory_space<vmem>>
          %dma_wait3A_74 = tpu.memref_squeeze %dma_wait3A_73 : memref<1x128xi32, #tpu.memory_space<vmem>> -> memref<128xi32, #tpu.memory_space<vmem>>
          %dma_wait3A_75 = arith.constant 0 : i32
          %dma_wait3A_76 = arith.constant 0 : i32
          %dma_wait3A_77 = tpu.memref_slice %arg11[%dma_wait3A_75, %dma_wait3A_76] : memref<10112x128xf32, #tpu.memory_space<vmem_shared>> -> memref<10112x128xf32, #tpu.memory_space<vmem_shared>>
          tpu.wait_indirect_dma semaphore(%run_scoped3A : memref<!tpu.dma_semaphore, #tpu.memory_space<semaphore_mem>>) src(%arg9 : memref<128x128xf32, #tpu.memory_space<vmem>>) dst(%dma_wait3A_77 : memref<10112x128xf32, #tpu.memory_space<vmem_shared>>)
          tpu.yield
        }) : () -> ()
        %add3A_45 = arith.constant 2 : i32
        %add3A_46 = arith.addi %add3A_39, %add3A_45 : i32
        %lt3A = arith.constant 32 : i32
        %lt3A_47 = arith.cmpi slt, %add3A_46, %lt3A : i32
        %convert_element_type3A = arith.extui %lt3A_47 : i1 to i32
        %cond3A = arith.constant 0 : i32
        %cond3A_48 = arith.cmpi ne, %convert_element_type3A, %cond3A : i32
        scf.if %cond3A_48 {
          %add3A_66 = arith.constant 2 : i32
          %add3A_67 = arith.addi %add3A_39, %add3A_66 : i32
          %dma_start3A_68 = arith.constant 0 : i32
          %dma_start3A_69 = tpu.memref_slice %arg7[%add3A_67, %dma_start3A_68] : memref<32x128xi32, #tpu.memory_space<vmem>> -> memref<1x128xi32, #tpu.memory_space<vmem>>
          %dma_start3A_70 = tpu.memref_squeeze %dma_start3A_69 : memref<1x128xi32, #tpu.memory_space<vmem>> -> memref<128xi32, #tpu.memory_space<vmem>>
          %dma_start3A_71 = arith.constant 0 : i32
          %dma_start3A_72 = arith.constant 0 : i32
          %dma_start3A_73 = tpu.memref_slice %arg2[%dma_start3A_71, %dma_start3A_72] : memref<20000x128xf32, #tpu.memory_space<hbm>> -> memref<20000x128xf32, #tpu.memory_space<hbm>>
          tpu.enqueue_indirect_dma source(%dma_start3A_73 : memref<20000x128xf32, #tpu.memory_space<hbm>>) target(%arg9 : memref<128x128xf32, #tpu.memory_space<vmem>>) offsets(%dma_start3A_70 : memref<128xi32, #tpu.memory_space<vmem>>) semaphore(%arg12 : memref<!tpu.dma_semaphore, #tpu.memory_space<semaphore_mem>>)
        } else {
        }
        %mul3A_49 = arith.constant 2 : i32
        %mul3A_50 = arith.muli %mul3A_49, %scan3A_36 : i32
        %add3A_51 = arith.constant 1 : i32
        %add3A_52 = arith.addi %mul3A_50, %add3A_51 : i32
        %dma_wait3A_53 = arith.constant 0 : i32
        %dma_wait3A_54 = tpu.memref_slice %arg7[%add3A_52, %dma_wait3A_53] : memref<32x128xi32, #tpu.memory_space<vmem>> -> memref<1x128xi32, #tpu.memory_space<vmem>>
        %dma_wait3A_55 = tpu.memref_squeeze %dma_wait3A_54 : memref<1x128xi32, #tpu.memory_space<vmem>> -> memref<128xi32, #tpu.memory_space<vmem>>
        %dma_wait3A_56 = arith.constant 0 : i32
        %dma_wait3A_57 = arith.constant 0 : i32
        %dma_wait3A_58 = tpu.memref_slice %arg2[%dma_wait3A_56, %dma_wait3A_57] : memref<20000x128xf32, #tpu.memory_space<hbm>> -> memref<20000x128xf32, #tpu.memory_space<hbm>>
        tpu.wait_indirect_dma semaphore(%arg13 : memref<!tpu.dma_semaphore, #tpu.memory_space<semaphore_mem>>) src(%dma_wait3A_58 : memref<20000x128xf32, #tpu.memory_space<hbm>>) dst(%arg10 : memref<128x128xf32, #tpu.memory_space<vmem>>)
        "tpu.region"() ({
          %run_scoped3A = tpu.sem_alloc : memref<!tpu.dma_semaphore, #tpu.memory_space<semaphore_mem>>
          %dma_start3A_66 = arith.constant 0 : i32
          %dma_start3A_67 = tpu.memref_slice %arg8[%add3A_52, %dma_start3A_66] : memref<32x128xi32, #tpu.memory_space<vmem>> -> memref<1x128xi32, #tpu.memory_space<vmem>>
          %dma_start3A_68 = tpu.memref_squeeze %dma_start3A_67 : memref<1x128xi32, #tpu.memory_space<vmem>> -> memref<128xi32, #tpu.memory_space<vmem>>
          %dma_start3A_69 = arith.constant 0 : i32
          %dma_start3A_70 = arith.constant 0 : i32
          %dma_start3A_71 = tpu.memref_slice %arg11[%dma_start3A_69, %dma_start3A_70] : memref<10112x128xf32, #tpu.memory_space<vmem_shared>> -> memref<10112x128xf32, #tpu.memory_space<vmem_shared>>
          tpu.enqueue_indirect_dma source(%arg10 : memref<128x128xf32, #tpu.memory_space<vmem>>) target(%dma_start3A_71 : memref<10112x128xf32, #tpu.memory_space<vmem_shared>>) offsets(%dma_start3A_68 : memref<128xi32, #tpu.memory_space<vmem>>) semaphore(%run_scoped3A : memref<!tpu.dma_semaphore, #tpu.memory_space<semaphore_mem>>) {add = true}
          %dma_wait3A_72 = arith.constant 0 : i32
          %dma_wait3A_73 = tpu.memref_slice %arg8[%add3A_52, %dma_wait3A_72] : memref<32x128xi32, #tpu.memory_space<vmem>> -> memref<1x128xi32, #tpu.memory_space<vmem>>
          %dma_wait3A_74 = tpu.memref_squeeze %dma_wait3A_73 : memref<1x128xi32, #tpu.memory_space<vmem>> -> memref<128xi32, #tpu.memory_space<vmem>>
          %dma_wait3A_75 = arith.constant 0 : i32
          %dma_wait3A_76 = arith.constant 0 : i32
          %dma_wait3A_77 = tpu.memref_slice %arg11[%dma_wait3A_75, %dma_wait3A_76] : memref<10112x128xf32, #tpu.memory_space<vmem_shared>> -> memref<10112x128xf32, #tpu.memory_space<vmem_shared>>
          tpu.wait_indirect_dma semaphore(%run_scoped3A : memref<!tpu.dma_semaphore, #tpu.memory_space<semaphore_mem>>) src(%arg10 : memref<128x128xf32, #tpu.memory_space<vmem>>) dst(%dma_wait3A_77 : memref<10112x128xf32, #tpu.memory_space<vmem_shared>>)
          tpu.yield
        }) : () -> ()
        %add3A_59 = arith.constant 2 : i32
        %add3A_60 = arith.addi %add3A_52, %add3A_59 : i32
        %lt3A_61 = arith.constant 32 : i32
        %lt3A_62 = arith.cmpi slt, %add3A_60, %lt3A_61 : i32
        %convert_element_type3A_63 = arith.extui %lt3A_62 : i1 to i32
        %cond3A_64 = arith.constant 0 : i32
        %cond3A_65 = arith.cmpi ne, %convert_element_type3A_63, %cond3A_64 : i32
        scf.if %cond3A_65 {
          %add3A_66 = arith.constant 2 : i32
          %add3A_67 = arith.addi %add3A_52, %add3A_66 : i32
          %dma_start3A_68 = arith.constant 0 : i32
          %dma_start3A_69 = tpu.memref_slice %arg7[%add3A_67, %dma_start3A_68] : memref<32x128xi32, #tpu.memory_space<vmem>> -> memref<1x128xi32, #tpu.memory_space<vmem>>
          %dma_start3A_70 = tpu.memref_squeeze %dma_start3A_69 : memref<1x128xi32, #tpu.memory_space<vmem>> -> memref<128xi32, #tpu.memory_space<vmem>>
          %dma_start3A_71 = arith.constant 0 : i32
          %dma_start3A_72 = arith.constant 0 : i32
          %dma_start3A_73 = tpu.memref_slice %arg2[%dma_start3A_71, %dma_start3A_72] : memref<20000x128xf32, #tpu.memory_space<hbm>> -> memref<20000x128xf32, #tpu.memory_space<hbm>>
          tpu.enqueue_indirect_dma source(%dma_start3A_73 : memref<20000x128xf32, #tpu.memory_space<hbm>>) target(%arg10 : memref<128x128xf32, #tpu.memory_space<vmem>>) offsets(%dma_start3A_70 : memref<128xi32, #tpu.memory_space<vmem>>) semaphore(%arg13 : memref<!tpu.dma_semaphore, #tpu.memory_space<semaphore_mem>>)
        } else {
        }
      }
      %scan3A_35 = arith.constant 16 : i32
    }
    %scan3A_7 = arith.constant 5 : i32
    %barrier3A_8 = arith.constant 0 : index
    tpu.barrier barrier_id(%barrier3A_8)
    %mul3A_9 = arith.constant 632 : i32
    %mul3A_10 = arith.muli %arg1, %mul3A_9 : i32
    %mul3A_11 = arith.constant 632 : i32
    %mul3A_12 = arith.muli %arg1, %mul3A_11 : i32
    "tpu.region"() ({
      %run_scoped3A = tpu.sem_alloc : memref<!tpu.dma_semaphore, #tpu.memory_space<semaphore_mem>>
      %dma_start3A = arith.constant 0 : i32
      %dma_start3A_13 = tpu.memref_slice %arg6[%arg0, %mul3A_12, %dma_start3A] : memref<2x10112x128xf32, #tpu.memory_space<hbm>> -> memref<1x632x128xf32, #tpu.memory_space<hbm>>
      %dma_start3A_14 = tpu.memref_squeeze %dma_start3A_13 : memref<1x632x128xf32, #tpu.memory_space<hbm>> -> memref<632x128xf32, #tpu.memory_space<hbm>>
      %dma_start3A_15 = arith.constant 0 : i32
      %dma_start3A_16 = tpu.memref_slice %arg11[%mul3A_10, %dma_start3A_15] : memref<10112x128xf32, #tpu.memory_space<vmem_shared>> -> memref<632x128xf32, #tpu.memory_space<vmem_shared>>
      tpu.enqueue_dma source(%dma_start3A_16 : memref<632x128xf32, #tpu.memory_space<vmem_shared>>) target(%dma_start3A_14 : memref<632x128xf32, #tpu.memory_space<hbm>>) target_semaphore(%run_scoped3A : memref<!tpu.dma_semaphore, #tpu.memory_space<semaphore_mem>>)
      %dma_wait3A = arith.constant 0 : i32
      %dma_wait3A_17 = tpu.memref_slice %arg6[%arg0, %mul3A_12, %dma_wait3A] : memref<2x10112x128xf32, #tpu.memory_space<hbm>> -> memref<1x632x128xf32, #tpu.memory_space<hbm>>
      %dma_wait3A_18 = tpu.memref_squeeze %dma_wait3A_17 : memref<1x632x128xf32, #tpu.memory_space<hbm>> -> memref<632x128xf32, #tpu.memory_space<hbm>>
      %dma_wait3A_19 = arith.constant 0 : i32
      %dma_wait3A_20 = tpu.memref_slice %arg11[%mul3A_10, %dma_wait3A_19] : memref<10112x128xf32, #tpu.memory_space<vmem_shared>> -> memref<632x128xf32, #tpu.memory_space<vmem_shared>>
      tpu.wait_dma2 semaphore(%run_scoped3A : memref<!tpu.dma_semaphore, #tpu.memory_space<semaphore_mem>>) src(%dma_wait3A_20 : memref<632x128xf32, #tpu.memory_space<vmem_shared>>) dst(%dma_wait3A_18 : memref<632x128xf32, #tpu.memory_space<hbm>>)
      tpu.yield
    }) : () -> ()
    return
  }
}

#map = affine_map<(d0, d1) -> (0, 0, 0)>
#map1 = affine_map<(d0, d1) -> (0, 0)>
module attributes {stable_mosaic.version = 14 : i64} {
  func.func @_deg_body(%arg0: i32, %arg1: i32, %arg2: memref<32x79x128xi32, #tpu.memory_space<hbm>>, %arg3: memref<128x128xf32, #tpu.memory_space<hbm>>, %arg4: memref<10112x128xf32, #tpu.memory_space<hbm>>, %arg5: memref<2x10112x128xf32, #tpu.memory_space<hbm>>, %arg6: memref<79x128xi32, #tpu.memory_space<vmem>>, %arg7: memref<128x128xf32, #tpu.memory_space<vmem>>, %arg8: memref<10112x128xf32, #tpu.memory_space<vmem_shared>>, %arg9: memref<!tpu.dma_semaphore, #tpu.memory_space<semaphore_mem>>) attributes {dimension_semantics = [#tpu.dimension_semantics<core_parallel>, #tpu.dimension_semantics<subcore_parallel>], iteration_bounds = array<i64: 2, 16>, scalar_prefetch = 0 : i64, scratch_operands = 4 : i64, tpu.core_type = #tpu.core_type<sc_vector_subcore>, window_params = [{transform_indices = #map}, {transform_indices = #map1}, {transform_indices = #map1}, {transform_indices = #map}]} {
    %mul3A = arith.constant 16 : i32
    %mul3A_0 = arith.muli %arg0, %mul3A : i32
    %add3A = arith.addi %mul3A_0, %arg1 : i32
    "tpu.region"() ({
      %run_scoped3A = tpu.sem_alloc : memref<!tpu.dma_semaphore, #tpu.memory_space<semaphore_mem>>
      %dma_start3A = arith.constant 0 : i32
      %dma_start3A_15 = arith.constant 0 : i32
      %dma_start3A_16 = tpu.memref_slice %arg2[%add3A, %dma_start3A, %dma_start3A_15] : memref<32x79x128xi32, #tpu.memory_space<hbm>> -> memref<1x79x128xi32, #tpu.memory_space<hbm>>
      %dma_start3A_17 = tpu.memref_squeeze %dma_start3A_16 : memref<1x79x128xi32, #tpu.memory_space<hbm>> -> memref<79x128xi32, #tpu.memory_space<hbm>>
      %dma_start3A_18 = arith.constant 0 : i32
      %dma_start3A_19 = arith.constant 0 : i32
      %dma_start3A_20 = tpu.memref_slice %arg2[%add3A, %dma_start3A_18, %dma_start3A_19] : memref<32x79x128xi32, #tpu.memory_space<hbm>> -> memref<1x79x128xi32, #tpu.memory_space<hbm>>
      %dma_start3A_21 = tpu.memref_squeeze %dma_start3A_20 : memref<1x79x128xi32, #tpu.memory_space<hbm>> -> memref<79x128xi32, #tpu.memory_space<hbm>>
      tpu.enqueue_dma source(%dma_start3A_21 : memref<79x128xi32, #tpu.memory_space<hbm>>) target(%arg6 : memref<79x128xi32, #tpu.memory_space<vmem>>) target_semaphore(%run_scoped3A : memref<!tpu.dma_semaphore, #tpu.memory_space<semaphore_mem>>)
      %dma_wait3A = arith.constant 0 : i32
      %dma_wait3A_22 = arith.constant 0 : i32
      %dma_wait3A_23 = tpu.memref_slice %arg2[%add3A, %dma_wait3A, %dma_wait3A_22] : memref<32x79x128xi32, #tpu.memory_space<hbm>> -> memref<1x79x128xi32, #tpu.memory_space<hbm>>
      %dma_wait3A_24 = tpu.memref_squeeze %dma_wait3A_23 : memref<1x79x128xi32, #tpu.memory_space<hbm>> -> memref<79x128xi32, #tpu.memory_space<hbm>>
      %dma_wait3A_25 = arith.constant 0 : i32
      %dma_wait3A_26 = arith.constant 0 : i32
      %dma_wait3A_27 = tpu.memref_slice %arg2[%add3A, %dma_wait3A_25, %dma_wait3A_26] : memref<32x79x128xi32, #tpu.memory_space<hbm>> -> memref<1x79x128xi32, #tpu.memory_space<hbm>>
      %dma_wait3A_28 = tpu.memref_squeeze %dma_wait3A_27 : memref<1x79x128xi32, #tpu.memory_space<hbm>> -> memref<79x128xi32, #tpu.memory_space<hbm>>
      tpu.wait_dma2 semaphore(%run_scoped3A : memref<!tpu.dma_semaphore, #tpu.memory_space<semaphore_mem>>) src(%dma_wait3A_28 : memref<79x128xi32, #tpu.memory_space<hbm>>) dst(%arg6 : memref<79x128xi32, #tpu.memory_space<vmem>>)
      tpu.yield
    }) : () -> ()
    "tpu.region"() ({
      %run_scoped3A = tpu.sem_alloc : memref<!tpu.dma_semaphore, #tpu.memory_space<semaphore_mem>>
      tpu.enqueue_dma source(%arg3 : memref<128x128xf32, #tpu.memory_space<hbm>>) target(%arg7 : memref<128x128xf32, #tpu.memory_space<vmem>>) target_semaphore(%run_scoped3A : memref<!tpu.dma_semaphore, #tpu.memory_space<semaphore_mem>>)
      tpu.wait_dma2 semaphore(%run_scoped3A : memref<!tpu.dma_semaphore, #tpu.memory_space<semaphore_mem>>) src(%arg3 : memref<128x128xf32, #tpu.memory_space<hbm>>) dst(%arg7 : memref<128x128xf32, #tpu.memory_space<vmem>>)
      tpu.yield
    }) : () -> ()
    %mul3A_1 = arith.constant 632 : i32
    %mul3A_2 = arith.muli %arg1, %mul3A_1 : i32
    %mul3A_3 = arith.constant 632 : i32
    %mul3A_4 = arith.muli %arg1, %mul3A_3 : i32
    "tpu.region"() ({
      %run_scoped3A = tpu.sem_alloc : memref<!tpu.dma_semaphore, #tpu.memory_space<semaphore_mem>>
      %dma_start3A = arith.constant 0 : i32
      %dma_start3A_15 = tpu.memref_slice %arg8[%mul3A_4, %dma_start3A] : memref<10112x128xf32, #tpu.memory_space<vmem_shared>> -> memref<632x128xf32, #tpu.memory_space<vmem_shared>>
      %dma_start3A_16 = arith.constant 0 : i32
      %dma_start3A_17 = tpu.memref_slice %arg4[%mul3A_2, %dma_start3A_16] : memref<10112x128xf32, #tpu.memory_space<hbm>> -> memref<632x128xf32, #tpu.memory_space<hbm>>
      tpu.enqueue_dma source(%dma_start3A_17 : memref<632x128xf32, #tpu.memory_space<hbm>>) target(%dma_start3A_15 : memref<632x128xf32, #tpu.memory_space<vmem_shared>>) target_semaphore(%run_scoped3A : memref<!tpu.dma_semaphore, #tpu.memory_space<semaphore_mem>>)
      %dma_wait3A = arith.constant 0 : i32
      %dma_wait3A_18 = tpu.memref_slice %arg8[%mul3A_4, %dma_wait3A] : memref<10112x128xf32, #tpu.memory_space<vmem_shared>> -> memref<632x128xf32, #tpu.memory_space<vmem_shared>>
      %dma_wait3A_19 = arith.constant 0 : i32
      %dma_wait3A_20 = tpu.memref_slice %arg4[%mul3A_2, %dma_wait3A_19] : memref<10112x128xf32, #tpu.memory_space<hbm>> -> memref<632x128xf32, #tpu.memory_space<hbm>>
      tpu.wait_dma2 semaphore(%run_scoped3A : memref<!tpu.dma_semaphore, #tpu.memory_space<semaphore_mem>>) src(%dma_wait3A_20 : memref<632x128xf32, #tpu.memory_space<hbm>>) dst(%dma_wait3A_18 : memref<632x128xf32, #tpu.memory_space<vmem_shared>>)
      tpu.yield
    }) : () -> ()
    %barrier3A = arith.constant 0 : index
    tpu.barrier barrier_id(%barrier3A)
    %scan3A = arith.constant 0 : i32
    %scan3A_5 = arith.constant 0 : i32
    %scan3A_6 = arith.constant 79 : i32
    %scan3A_7 = arith.addi %scan3A_5, %scan3A_6 : i32
    %scan3A_8 = arith.constant 1 : i32
    scf.for %scan3A_15 = %scan3A_5 to %scan3A_7 step %scan3A_8  : i32 {
      "tpu.region"() ({
        %run_scoped3A = tpu.sem_alloc : memref<!tpu.dma_semaphore, #tpu.memory_space<semaphore_mem>>
        %dma_start3A = arith.constant 0 : i32
        %dma_start3A_16 = tpu.memref_slice %arg6[%scan3A_15, %dma_start3A] : memref<79x128xi32, #tpu.memory_space<vmem>> -> memref<1x128xi32, #tpu.memory_space<vmem>>
        %dma_start3A_17 = tpu.memref_squeeze %dma_start3A_16 : memref<1x128xi32, #tpu.memory_space<vmem>> -> memref<128xi32, #tpu.memory_space<vmem>>
        %dma_start3A_18 = arith.constant 0 : i32
        %dma_start3A_19 = arith.constant 0 : i32
        %dma_start3A_20 = tpu.memref_slice %arg8[%dma_start3A_18, %dma_start3A_19] : memref<10112x128xf32, #tpu.memory_space<vmem_shared>> -> memref<10112x128xf32, #tpu.memory_space<vmem_shared>>
        tpu.enqueue_indirect_dma source(%arg7 : memref<128x128xf32, #tpu.memory_space<vmem>>) target(%dma_start3A_20 : memref<10112x128xf32, #tpu.memory_space<vmem_shared>>) offsets(%dma_start3A_17 : memref<128xi32, #tpu.memory_space<vmem>>) semaphore(%run_scoped3A : memref<!tpu.dma_semaphore, #tpu.memory_space<semaphore_mem>>) {add = true}
        %dma_wait3A = arith.constant 0 : i32
        %dma_wait3A_21 = tpu.memref_slice %arg6[%scan3A_15, %dma_wait3A] : memref<79x128xi32, #tpu.memory_space<vmem>> -> memref<1x128xi32, #tpu.memory_space<vmem>>
        %dma_wait3A_22 = tpu.memref_squeeze %dma_wait3A_21 : memref<1x128xi32, #tpu.memory_space<vmem>> -> memref<128xi32, #tpu.memory_space<vmem>>
        %dma_wait3A_23 = arith.constant 0 : i32
        %dma_wait3A_24 = arith.constant 0 : i32
        %dma_wait3A_25 = tpu.memref_slice %arg8[%dma_wait3A_23, %dma_wait3A_24] : memref<10112x128xf32, #tpu.memory_space<vmem_shared>> -> memref<10112x128xf32, #tpu.memory_space<vmem_shared>>
        tpu.wait_indirect_dma semaphore(%run_scoped3A : memref<!tpu.dma_semaphore, #tpu.memory_space<semaphore_mem>>) src(%arg7 : memref<128x128xf32, #tpu.memory_space<vmem>>) dst(%dma_wait3A_25 : memref<10112x128xf32, #tpu.memory_space<vmem_shared>>)
        tpu.yield
      }) : () -> ()
    }
    %scan3A_9 = arith.constant 79 : i32
    %barrier3A_10 = arith.constant 0 : index
    tpu.barrier barrier_id(%barrier3A_10)
    %mul3A_11 = arith.constant 632 : i32
    %mul3A_12 = arith.muli %arg1, %mul3A_11 : i32
    %mul3A_13 = arith.constant 632 : i32
    %mul3A_14 = arith.muli %arg1, %mul3A_13 : i32
    "tpu.region"() ({
      %run_scoped3A = tpu.sem_alloc : memref<!tpu.dma_semaphore, #tpu.memory_space<semaphore_mem>>
      %dma_start3A = arith.constant 0 : i32
      %dma_start3A_15 = tpu.memref_slice %arg5[%arg0, %mul3A_14, %dma_start3A] : memref<2x10112x128xf32, #tpu.memory_space<hbm>> -> memref<1x632x128xf32, #tpu.memory_space<hbm>>
      %dma_start3A_16 = tpu.memref_squeeze %dma_start3A_15 : memref<1x632x128xf32, #tpu.memory_space<hbm>> -> memref<632x128xf32, #tpu.memory_space<hbm>>
      %dma_start3A_17 = arith.constant 0 : i32
      %dma_start3A_18 = tpu.memref_slice %arg8[%mul3A_12, %dma_start3A_17] : memref<10112x128xf32, #tpu.memory_space<vmem_shared>> -> memref<632x128xf32, #tpu.memory_space<vmem_shared>>
      tpu.enqueue_dma source(%dma_start3A_18 : memref<632x128xf32, #tpu.memory_space<vmem_shared>>) target(%dma_start3A_16 : memref<632x128xf32, #tpu.memory_space<hbm>>) target_semaphore(%run_scoped3A : memref<!tpu.dma_semaphore, #tpu.memory_space<semaphore_mem>>)
      %dma_wait3A = arith.constant 0 : i32
      %dma_wait3A_19 = tpu.memref_slice %arg5[%arg0, %mul3A_14, %dma_wait3A] : memref<2x10112x128xf32, #tpu.memory_space<hbm>> -> memref<1x632x128xf32, #tpu.memory_space<hbm>>
      %dma_wait3A_20 = tpu.memref_squeeze %dma_wait3A_19 : memref<1x632x128xf32, #tpu.memory_space<hbm>> -> memref<632x128xf32, #tpu.memory_space<hbm>>
      %dma_wait3A_21 = arith.constant 0 : i32
      %dma_wait3A_22 = tpu.memref_slice %arg8[%mul3A_12, %dma_wait3A_21] : memref<10112x128xf32, #tpu.memory_space<vmem_shared>> -> memref<632x128xf32, #tpu.memory_space<vmem_shared>>
      tpu.wait_dma2 semaphore(%run_scoped3A : memref<!tpu.dma_semaphore, #tpu.memory_space<semaphore_mem>>) src(%dma_wait3A_22 : memref<632x128xf32, #tpu.memory_space<vmem_shared>>) dst(%dma_wait3A_20 : memref<632x128xf32, #tpu.memory_space<hbm>>)
      tpu.yield
    }) : () -> ()
    return
  }
}

#map = affine_map<(d0, d1) -> (0, 0)>
#map1 = affine_map<(d0, d1) -> (0, 0, 0, 0)>
#map2 = affine_map<(d0, d1) -> (0, 0, 0)>
module attributes {stable_mosaic.version = 14 : i64} {
  func.func @_agg_body(%arg0: i32, %arg1: i32, %arg2: memref<20000x128xf32, #tpu.memory_space<hbm>>, %arg3: memref<2x16x160x128xi32, #tpu.memory_space<hbm>>, %arg4: memref<16x160x128xi32, #tpu.memory_space<hbm>>, %arg5: memref<10112x128xf32, #tpu.memory_space<hbm>>, %arg6: memref<2x10112x128xf32, #tpu.memory_space<hbm>>, %arg7: memref<32x128xi32, #tpu.memory_space<vmem>>, %arg8: memref<32x128xi32, #tpu.memory_space<vmem>>, %arg9: memref<128x128xf32, #tpu.memory_space<vmem>>, %arg10: memref<128x128xf32, #tpu.memory_space<vmem>>, %arg11: memref<10112x128xf32, #tpu.memory_space<vmem_shared>>, %arg12: memref<!tpu.dma_semaphore, #tpu.memory_space<semaphore_mem>>, %arg13: memref<!tpu.dma_semaphore, #tpu.memory_space<semaphore_mem>>) attributes {dimension_semantics = [#tpu.dimension_semantics<core_parallel>, #tpu.dimension_semantics<subcore_parallel>], iteration_bounds = array<i64: 2, 16>, scalar_prefetch = 0 : i64, scratch_operands = 7 : i64, tpu.core_type = #tpu.core_type<sc_vector_subcore>, window_params = [{transform_indices = #map}, {transform_indices = #map1}, {transform_indices = #map2}, {transform_indices = #map}, {transform_indices = #map2}]} {
    %mul3A = arith.constant 632 : i32
    %mul3A_0 = arith.muli %arg1, %mul3A : i32
    %mul3A_1 = arith.constant 632 : i32
    %mul3A_2 = arith.muli %arg1, %mul3A_1 : i32
    "tpu.region"() ({
      %run_scoped3A = tpu.sem_alloc : memref<!tpu.dma_semaphore, #tpu.memory_space<semaphore_mem>>
      %dma_start3A = arith.constant 0 : i32
      %dma_start3A_13 = tpu.memref_slice %arg11[%mul3A_2, %dma_start3A] : memref<10112x128xf32, #tpu.memory_space<vmem_shared>> -> memref<632x128xf32, #tpu.memory_space<vmem_shared>>
      %dma_start3A_14 = arith.constant 0 : i32
      %dma_start3A_15 = tpu.memref_slice %arg5[%mul3A_0, %dma_start3A_14] : memref<10112x128xf32, #tpu.memory_space<hbm>> -> memref<632x128xf32, #tpu.memory_space<hbm>>
      tpu.enqueue_dma source(%dma_start3A_15 : memref<632x128xf32, #tpu.memory_space<hbm>>) target(%dma_start3A_13 : memref<632x128xf32, #tpu.memory_space<vmem_shared>>) target_semaphore(%run_scoped3A : memref<!tpu.dma_semaphore, #tpu.memory_space<semaphore_mem>>)
      %dma_wait3A = arith.constant 0 : i32
      %dma_wait3A_16 = tpu.memref_slice %arg11[%mul3A_2, %dma_wait3A] : memref<10112x128xf32, #tpu.memory_space<vmem_shared>> -> memref<632x128xf32, #tpu.memory_space<vmem_shared>>
      %dma_wait3A_17 = arith.constant 0 : i32
      %dma_wait3A_18 = tpu.memref_slice %arg5[%mul3A_0, %dma_wait3A_17] : memref<10112x128xf32, #tpu.memory_space<hbm>> -> memref<632x128xf32, #tpu.memory_space<hbm>>
      tpu.wait_dma2 semaphore(%run_scoped3A : memref<!tpu.dma_semaphore, #tpu.memory_space<semaphore_mem>>) src(%dma_wait3A_18 : memref<632x128xf32, #tpu.memory_space<hbm>>) dst(%dma_wait3A_16 : memref<632x128xf32, #tpu.memory_space<vmem_shared>>)
      tpu.yield
    }) : () -> ()
    %barrier3A = arith.constant 0 : index
    tpu.barrier barrier_id(%barrier3A)
    %scan3A = arith.constant 0 : i32
    %scan3A_3 = arith.constant 0 : i32
    %scan3A_4 = arith.constant 5 : i32
    %scan3A_5 = arith.addi %scan3A_3, %scan3A_4 : i32
    %scan3A_6 = arith.constant 1 : i32
    scf.for %scan3A_13 = %scan3A_3 to %scan3A_5 step %scan3A_6  : i32 {
      %mul3A_14 = arith.constant 32 : i32
      %mul3A_15 = arith.muli %scan3A_13, %mul3A_14 : i32
      "tpu.region"() ({
        %run_scoped3A = tpu.sem_alloc : memref<!tpu.dma_semaphore, #tpu.memory_space<semaphore_mem>>
        %dma_start3A_36 = arith.constant 0 : i32
        %dma_start3A_37 = tpu.memref_slice %arg3[%arg0, %arg1, %mul3A_15, %dma_start3A_36] : memref<2x16x160x128xi32, #tpu.memory_space<hbm>> -> memref<1x1x32x128xi32, #tpu.memory_space<hbm>>
        %dma_start3A_38 = tpu.memref_squeeze %dma_start3A_37 : memref<1x1x32x128xi32, #tpu.memory_space<hbm>> -> memref<32x128xi32, #tpu.memory_space<hbm>>
        %dma_start3A_39 = arith.constant 0 : i32
        %dma_start3A_40 = tpu.memref_slice %arg3[%arg0, %arg1, %mul3A_15, %dma_start3A_39] : memref<2x16x160x128xi32, #tpu.memory_space<hbm>> -> memref<1x1x32x128xi32, #tpu.memory_space<hbm>>
        %dma_start3A_41 = tpu.memref_squeeze %dma_start3A_40 : memref<1x1x32x128xi32, #tpu.memory_space<hbm>> -> memref<32x128xi32, #tpu.memory_space<hbm>>
        tpu.enqueue_dma source(%dma_start3A_41 : memref<32x128xi32, #tpu.memory_space<hbm>>) target(%arg7 : memref<32x128xi32, #tpu.memory_space<vmem>>) target_semaphore(%run_scoped3A : memref<!tpu.dma_semaphore, #tpu.memory_space<semaphore_mem>>)
        %dma_wait3A = arith.constant 0 : i32
        %dma_wait3A_42 = tpu.memref_slice %arg3[%arg0, %arg1, %mul3A_15, %dma_wait3A] : memref<2x16x160x128xi32, #tpu.memory_space<hbm>> -> memref<1x1x32x128xi32, #tpu.memory_space<hbm>>
        %dma_wait3A_43 = tpu.memref_squeeze %dma_wait3A_42 : memref<1x1x32x128xi32, #tpu.memory_space<hbm>> -> memref<32x128xi32, #tpu.memory_space<hbm>>
        %dma_wait3A_44 = arith.constant 0 : i32
        %dma_wait3A_45 = tpu.memref_slice %arg3[%arg0, %arg1, %mul3A_15, %dma_wait3A_44] : memref<2x16x160x128xi32, #tpu.memory_space<hbm>> -> memref<1x1x32x128xi32, #tpu.memory_space<hbm>>
        %dma_wait3A_46 = tpu.memref_squeeze %dma_wait3A_45 : memref<1x1x32x128xi32, #tpu.memory_space<hbm>> -> memref<32x128xi32, #tpu.memory_space<hbm>>
        tpu.wait_dma2 semaphore(%run_scoped3A : memref<!tpu.dma_semaphore, #tpu.memory_space<semaphore_mem>>) src(%dma_wait3A_46 : memref<32x128xi32, #tpu.memory_space<hbm>>) dst(%arg7 : memref<32x128xi32, #tpu.memory_space<vmem>>)
        tpu.yield
      }) : () -> ()
      %mul3A_16 = arith.constant 32 : i32
      %mul3A_17 = arith.muli %scan3A_13, %mul3A_16 : i32
      "tpu.region"() ({
        %run_scoped3A = tpu.sem_alloc : memref<!tpu.dma_semaphore, #tpu.memory_space<semaphore_mem>>
        %dma_start3A_36 = arith.constant 0 : i32
        %dma_start3A_37 = tpu.memref_slice %arg4[%arg1, %mul3A_17, %dma_start3A_36] : memref<16x160x128xi32, #tpu.memory_space<hbm>> -> memref<1x32x128xi32, #tpu.memory_space<hbm>>
        %dma_start3A_38 = tpu.memref_squeeze %dma_start3A_37 : memref<1x32x128xi32, #tpu.memory_space<hbm>> -> memref<32x128xi32, #tpu.memory_space<hbm>>
        %dma_start3A_39 = arith.constant 0 : i32
        %dma_start3A_40 = tpu.memref_slice %arg4[%arg1, %mul3A_17, %dma_start3A_39] : memref<16x160x128xi32, #tpu.memory_space<hbm>> -> memref<1x32x128xi32, #tpu.memory_space<hbm>>
        %dma_start3A_41 = tpu.memref_squeeze %dma_start3A_40 : memref<1x32x128xi32, #tpu.memory_space<hbm>> -> memref<32x128xi32, #tpu.memory_space<hbm>>
        tpu.enqueue_dma source(%dma_start3A_41 : memref<32x128xi32, #tpu.memory_space<hbm>>) target(%arg8 : memref<32x128xi32, #tpu.memory_space<vmem>>) target_semaphore(%run_scoped3A : memref<!tpu.dma_semaphore, #tpu.memory_space<semaphore_mem>>)
        %dma_wait3A = arith.constant 0 : i32
        %dma_wait3A_42 = tpu.memref_slice %arg4[%arg1, %mul3A_17, %dma_wait3A] : memref<16x160x128xi32, #tpu.memory_space<hbm>> -> memref<1x32x128xi32, #tpu.memory_space<hbm>>
        %dma_wait3A_43 = tpu.memref_squeeze %dma_wait3A_42 : memref<1x32x128xi32, #tpu.memory_space<hbm>> -> memref<32x128xi32, #tpu.memory_space<hbm>>
        %dma_wait3A_44 = arith.constant 0 : i32
        %dma_wait3A_45 = tpu.memref_slice %arg4[%arg1, %mul3A_17, %dma_wait3A_44] : memref<16x160x128xi32, #tpu.memory_space<hbm>> -> memref<1x32x128xi32, #tpu.memory_space<hbm>>
        %dma_wait3A_46 = tpu.memref_squeeze %dma_wait3A_45 : memref<1x32x128xi32, #tpu.memory_space<hbm>> -> memref<32x128xi32, #tpu.memory_space<hbm>>
        tpu.wait_dma2 semaphore(%run_scoped3A : memref<!tpu.dma_semaphore, #tpu.memory_space<semaphore_mem>>) src(%dma_wait3A_46 : memref<32x128xi32, #tpu.memory_space<hbm>>) dst(%arg8 : memref<32x128xi32, #tpu.memory_space<vmem>>)
        tpu.yield
      }) : () -> ()
      %dma_start3A = arith.constant 0 : i32
      %dma_start3A_18 = arith.constant 0 : i32
      %dma_start3A_19 = tpu.memref_slice %arg7[%dma_start3A, %dma_start3A_18] : memref<32x128xi32, #tpu.memory_space<vmem>> -> memref<1x128xi32, #tpu.memory_space<vmem>>
      %dma_start3A_20 = tpu.memref_squeeze %dma_start3A_19 : memref<1x128xi32, #tpu.memory_space<vmem>> -> memref<128xi32, #tpu.memory_space<vmem>>
      %dma_start3A_21 = arith.constant 0 : i32
      %dma_start3A_22 = arith.constant 0 : i32
      %dma_start3A_23 = tpu.memref_slice %arg2[%dma_start3A_21, %dma_start3A_22] : memref<20000x128xf32, #tpu.memory_space<hbm>> -> memref<20000x128xf32, #tpu.memory_space<hbm>>
      tpu.enqueue_indirect_dma source(%dma_start3A_23 : memref<20000x128xf32, #tpu.memory_space<hbm>>) target(%arg9 : memref<128x128xf32, #tpu.memory_space<vmem>>) offsets(%dma_start3A_20 : memref<128xi32, #tpu.memory_space<vmem>>) semaphore(%arg12 : memref<!tpu.dma_semaphore, #tpu.memory_space<semaphore_mem>>)
      %dma_start3A_24 = arith.constant 1 : i32
      %dma_start3A_25 = arith.constant 0 : i32
      %dma_start3A_26 = tpu.memref_slice %arg7[%dma_start3A_24, %dma_start3A_25] : memref<32x128xi32, #tpu.memory_space<vmem>> -> memref<1x128xi32, #tpu.memory_space<vmem>>
      %dma_start3A_27 = tpu.memref_squeeze %dma_start3A_26 : memref<1x128xi32, #tpu.memory_space<vmem>> -> memref<128xi32, #tpu.memory_space<vmem>>
      %dma_start3A_28 = arith.constant 0 : i32
      %dma_start3A_29 = arith.constant 0 : i32
      %dma_start3A_30 = tpu.memref_slice %arg2[%dma_start3A_28, %dma_start3A_29] : memref<20000x128xf32, #tpu.memory_space<hbm>> -> memref<20000x128xf32, #tpu.memory_space<hbm>>
      tpu.enqueue_indirect_dma source(%dma_start3A_30 : memref<20000x128xf32, #tpu.memory_space<hbm>>) target(%arg10 : memref<128x128xf32, #tpu.memory_space<vmem>>) offsets(%dma_start3A_27 : memref<128xi32, #tpu.memory_space<vmem>>) semaphore(%arg13 : memref<!tpu.dma_semaphore, #tpu.memory_space<semaphore_mem>>)
      %scan3A_31 = arith.constant 0 : i32
      %scan3A_32 = arith.constant 16 : i32
      %scan3A_33 = arith.addi %scan3A_31, %scan3A_32 : i32
      %scan3A_34 = arith.constant 1 : i32
      scf.for %scan3A_36 = %scan3A_31 to %scan3A_33 step %scan3A_34  : i32 {
        %mul3A_37 = arith.constant 2 : i32
        %mul3A_38 = arith.muli %mul3A_37, %scan3A_36 : i32
        %add3A = arith.constant 0 : i32
        %add3A_39 = arith.addi %mul3A_38, %add3A : i32
        %dma_wait3A = arith.constant 0 : i32
        %dma_wait3A_40 = tpu.memref_slice %arg7[%add3A_39, %dma_wait3A] : memref<32x128xi32, #tpu.memory_space<vmem>> -> memref<1x128xi32, #tpu.memory_space<vmem>>
        %dma_wait3A_41 = tpu.memref_squeeze %dma_wait3A_40 : memref<1x128xi32, #tpu.memory_space<vmem>> -> memref<128xi32, #tpu.memory_space<vmem>>
        %dma_wait3A_42 = arith.constant 0 : i32
        %dma_wait3A_43 = arith.constant 0 : i32
        %dma_wait3A_44 = tpu.memref_slice %arg2[%dma_wait3A_42, %dma_wait3A_43] : memref<20000x128xf32, #tpu.memory_space<hbm>> -> memref<20000x128xf32, #tpu.memory_space<hbm>>
        tpu.wait_indirect_dma semaphore(%arg12 : memref<!tpu.dma_semaphore, #tpu.memory_space<semaphore_mem>>) src(%dma_wait3A_44 : memref<20000x128xf32, #tpu.memory_space<hbm>>) dst(%arg9 : memref<128x128xf32, #tpu.memory_space<vmem>>)
        "tpu.region"() ({
          %run_scoped3A = tpu.sem_alloc : memref<!tpu.dma_semaphore, #tpu.memory_space<semaphore_mem>>
          %dma_start3A_66 = arith.constant 0 : i32
          %dma_start3A_67 = tpu.memref_slice %arg8[%add3A_39, %dma_start3A_66] : memref<32x128xi32, #tpu.memory_space<vmem>> -> memref<1x128xi32, #tpu.memory_space<vmem>>
          %dma_start3A_68 = tpu.memref_squeeze %dma_start3A_67 : memref<1x128xi32, #tpu.memory_space<vmem>> -> memref<128xi32, #tpu.memory_space<vmem>>
          %dma_start3A_69 = arith.constant 0 : i32
          %dma_start3A_70 = arith.constant 0 : i32
          %dma_start3A_71 = tpu.memref_slice %arg11[%dma_start3A_69, %dma_start3A_70] : memref<10112x128xf32, #tpu.memory_space<vmem_shared>> -> memref<10112x128xf32, #tpu.memory_space<vmem_shared>>
          tpu.enqueue_indirect_dma source(%arg9 : memref<128x128xf32, #tpu.memory_space<vmem>>) target(%dma_start3A_71 : memref<10112x128xf32, #tpu.memory_space<vmem_shared>>) offsets(%dma_start3A_68 : memref<128xi32, #tpu.memory_space<vmem>>) semaphore(%run_scoped3A : memref<!tpu.dma_semaphore, #tpu.memory_space<semaphore_mem>>) {add = true}
          %dma_wait3A_72 = arith.constant 0 : i32
          %dma_wait3A_73 = tpu.memref_slice %arg8[%add3A_39, %dma_wait3A_72] : memref<32x128xi32, #tpu.memory_space<vmem>> -> memref<1x128xi32, #tpu.memory_space<vmem>>
          %dma_wait3A_74 = tpu.memref_squeeze %dma_wait3A_73 : memref<1x128xi32, #tpu.memory_space<vmem>> -> memref<128xi32, #tpu.memory_space<vmem>>
          %dma_wait3A_75 = arith.constant 0 : i32
          %dma_wait3A_76 = arith.constant 0 : i32
          %dma_wait3A_77 = tpu.memref_slice %arg11[%dma_wait3A_75, %dma_wait3A_76] : memref<10112x128xf32, #tpu.memory_space<vmem_shared>> -> memref<10112x128xf32, #tpu.memory_space<vmem_shared>>
          tpu.wait_indirect_dma semaphore(%run_scoped3A : memref<!tpu.dma_semaphore, #tpu.memory_space<semaphore_mem>>) src(%arg9 : memref<128x128xf32, #tpu.memory_space<vmem>>) dst(%dma_wait3A_77 : memref<10112x128xf32, #tpu.memory_space<vmem_shared>>)
          tpu.yield
        }) : () -> ()
        %add3A_45 = arith.constant 2 : i32
        %add3A_46 = arith.addi %add3A_39, %add3A_45 : i32
        %lt3A = arith.constant 32 : i32
        %lt3A_47 = arith.cmpi slt, %add3A_46, %lt3A : i32
        %convert_element_type3A = arith.extui %lt3A_47 : i1 to i32
        %cond3A = arith.constant 0 : i32
        %cond3A_48 = arith.cmpi ne, %convert_element_type3A, %cond3A : i32
        scf.if %cond3A_48 {
          %add3A_66 = arith.constant 2 : i32
          %add3A_67 = arith.addi %add3A_39, %add3A_66 : i32
          %dma_start3A_68 = arith.constant 0 : i32
          %dma_start3A_69 = tpu.memref_slice %arg7[%add3A_67, %dma_start3A_68] : memref<32x128xi32, #tpu.memory_space<vmem>> -> memref<1x128xi32, #tpu.memory_space<vmem>>
          %dma_start3A_70 = tpu.memref_squeeze %dma_start3A_69 : memref<1x128xi32, #tpu.memory_space<vmem>> -> memref<128xi32, #tpu.memory_space<vmem>>
          %dma_start3A_71 = arith.constant 0 : i32
          %dma_start3A_72 = arith.constant 0 : i32
          %dma_start3A_73 = tpu.memref_slice %arg2[%dma_start3A_71, %dma_start3A_72] : memref<20000x128xf32, #tpu.memory_space<hbm>> -> memref<20000x128xf32, #tpu.memory_space<hbm>>
          tpu.enqueue_indirect_dma source(%dma_start3A_73 : memref<20000x128xf32, #tpu.memory_space<hbm>>) target(%arg9 : memref<128x128xf32, #tpu.memory_space<vmem>>) offsets(%dma_start3A_70 : memref<128xi32, #tpu.memory_space<vmem>>) semaphore(%arg12 : memref<!tpu.dma_semaphore, #tpu.memory_space<semaphore_mem>>)
        } else {
        }
        %mul3A_49 = arith.constant 2 : i32
        %mul3A_50 = arith.muli %mul3A_49, %scan3A_36 : i32
        %add3A_51 = arith.constant 1 : i32
        %add3A_52 = arith.addi %mul3A_50, %add3A_51 : i32
        %dma_wait3A_53 = arith.constant 0 : i32
        %dma_wait3A_54 = tpu.memref_slice %arg7[%add3A_52, %dma_wait3A_53] : memref<32x128xi32, #tpu.memory_space<vmem>> -> memref<1x128xi32, #tpu.memory_space<vmem>>
        %dma_wait3A_55 = tpu.memref_squeeze %dma_wait3A_54 : memref<1x128xi32, #tpu.memory_space<vmem>> -> memref<128xi32, #tpu.memory_space<vmem>>
        %dma_wait3A_56 = arith.constant 0 : i32
        %dma_wait3A_57 = arith.constant 0 : i32
        %dma_wait3A_58 = tpu.memref_slice %arg2[%dma_wait3A_56, %dma_wait3A_57] : memref<20000x128xf32, #tpu.memory_space<hbm>> -> memref<20000x128xf32, #tpu.memory_space<hbm>>
        tpu.wait_indirect_dma semaphore(%arg13 : memref<!tpu.dma_semaphore, #tpu.memory_space<semaphore_mem>>) src(%dma_wait3A_58 : memref<20000x128xf32, #tpu.memory_space<hbm>>) dst(%arg10 : memref<128x128xf32, #tpu.memory_space<vmem>>)
        "tpu.region"() ({
          %run_scoped3A = tpu.sem_alloc : memref<!tpu.dma_semaphore, #tpu.memory_space<semaphore_mem>>
          %dma_start3A_66 = arith.constant 0 : i32
          %dma_start3A_67 = tpu.memref_slice %arg8[%add3A_52, %dma_start3A_66] : memref<32x128xi32, #tpu.memory_space<vmem>> -> memref<1x128xi32, #tpu.memory_space<vmem>>
          %dma_start3A_68 = tpu.memref_squeeze %dma_start3A_67 : memref<1x128xi32, #tpu.memory_space<vmem>> -> memref<128xi32, #tpu.memory_space<vmem>>
          %dma_start3A_69 = arith.constant 0 : i32
          %dma_start3A_70 = arith.constant 0 : i32
          %dma_start3A_71 = tpu.memref_slice %arg11[%dma_start3A_69, %dma_start3A_70] : memref<10112x128xf32, #tpu.memory_space<vmem_shared>> -> memref<10112x128xf32, #tpu.memory_space<vmem_shared>>
          tpu.enqueue_indirect_dma source(%arg10 : memref<128x128xf32, #tpu.memory_space<vmem>>) target(%dma_start3A_71 : memref<10112x128xf32, #tpu.memory_space<vmem_shared>>) offsets(%dma_start3A_68 : memref<128xi32, #tpu.memory_space<vmem>>) semaphore(%run_scoped3A : memref<!tpu.dma_semaphore, #tpu.memory_space<semaphore_mem>>) {add = true}
          %dma_wait3A_72 = arith.constant 0 : i32
          %dma_wait3A_73 = tpu.memref_slice %arg8[%add3A_52, %dma_wait3A_72] : memref<32x128xi32, #tpu.memory_space<vmem>> -> memref<1x128xi32, #tpu.memory_space<vmem>>
          %dma_wait3A_74 = tpu.memref_squeeze %dma_wait3A_73 : memref<1x128xi32, #tpu.memory_space<vmem>> -> memref<128xi32, #tpu.memory_space<vmem>>
          %dma_wait3A_75 = arith.constant 0 : i32
          %dma_wait3A_76 = arith.constant 0 : i32
          %dma_wait3A_77 = tpu.memref_slice %arg11[%dma_wait3A_75, %dma_wait3A_76] : memref<10112x128xf32, #tpu.memory_space<vmem_shared>> -> memref<10112x128xf32, #tpu.memory_space<vmem_shared>>
          tpu.wait_indirect_dma semaphore(%run_scoped3A : memref<!tpu.dma_semaphore, #tpu.memory_space<semaphore_mem>>) src(%arg10 : memref<128x128xf32, #tpu.memory_space<vmem>>) dst(%dma_wait3A_77 : memref<10112x128xf32, #tpu.memory_space<vmem_shared>>)
          tpu.yield
        }) : () -> ()
        %add3A_59 = arith.constant 2 : i32
        %add3A_60 = arith.addi %add3A_52, %add3A_59 : i32
        %lt3A_61 = arith.constant 32 : i32
        %lt3A_62 = arith.cmpi slt, %add3A_60, %lt3A_61 : i32
        %convert_element_type3A_63 = arith.extui %lt3A_62 : i1 to i32
        %cond3A_64 = arith.constant 0 : i32
        %cond3A_65 = arith.cmpi ne, %convert_element_type3A_63, %cond3A_64 : i32
        scf.if %cond3A_65 {
          %add3A_66 = arith.constant 2 : i32
          %add3A_67 = arith.addi %add3A_52, %add3A_66 : i32
          %dma_start3A_68 = arith.constant 0 : i32
          %dma_start3A_69 = tpu.memref_slice %arg7[%add3A_67, %dma_start3A_68] : memref<32x128xi32, #tpu.memory_space<vmem>> -> memref<1x128xi32, #tpu.memory_space<vmem>>
          %dma_start3A_70 = tpu.memref_squeeze %dma_start3A_69 : memref<1x128xi32, #tpu.memory_space<vmem>> -> memref<128xi32, #tpu.memory_space<vmem>>
          %dma_start3A_71 = arith.constant 0 : i32
          %dma_start3A_72 = arith.constant 0 : i32
          %dma_start3A_73 = tpu.memref_slice %arg2[%dma_start3A_71, %dma_start3A_72] : memref<20000x128xf32, #tpu.memory_space<hbm>> -> memref<20000x128xf32, #tpu.memory_space<hbm>>
          tpu.enqueue_indirect_dma source(%dma_start3A_73 : memref<20000x128xf32, #tpu.memory_space<hbm>>) target(%arg10 : memref<128x128xf32, #tpu.memory_space<vmem>>) offsets(%dma_start3A_70 : memref<128xi32, #tpu.memory_space<vmem>>) semaphore(%arg13 : memref<!tpu.dma_semaphore, #tpu.memory_space<semaphore_mem>>)
        } else {
        }
      }
      %scan3A_35 = arith.constant 16 : i32
    }
    %scan3A_7 = arith.constant 5 : i32
    %barrier3A_8 = arith.constant 0 : index
    tpu.barrier barrier_id(%barrier3A_8)
    %mul3A_9 = arith.constant 632 : i32
    %mul3A_10 = arith.muli %arg1, %mul3A_9 : i32
    %mul3A_11 = arith.constant 632 : i32
    %mul3A_12 = arith.muli %arg1, %mul3A_11 : i32
    "tpu.region"() ({
      %run_scoped3A = tpu.sem_alloc : memref<!tpu.dma_semaphore, #tpu.memory_space<semaphore_mem>>
      %dma_start3A = arith.constant 0 : i32
      %dma_start3A_13 = tpu.memref_slice %arg6[%arg0, %mul3A_12, %dma_start3A] : memref<2x10112x128xf32, #tpu.memory_space<hbm>> -> memref<1x632x128xf32, #tpu.memory_space<hbm>>
      %dma_start3A_14 = tpu.memref_squeeze %dma_start3A_13 : memref<1x632x128xf32, #tpu.memory_space<hbm>> -> memref<632x128xf32, #tpu.memory_space<hbm>>
      %dma_start3A_15 = arith.constant 0 : i32
      %dma_start3A_16 = tpu.memref_slice %arg11[%mul3A_10, %dma_start3A_15] : memref<10112x128xf32, #tpu.memory_space<vmem_shared>> -> memref<632x128xf32, #tpu.memory_space<vmem_shared>>
      tpu.enqueue_dma source(%dma_start3A_16 : memref<632x128xf32, #tpu.memory_space<vmem_shared>>) target(%dma_start3A_14 : memref<632x128xf32, #tpu.memory_space<hbm>>) target_semaphore(%run_scoped3A : memref<!tpu.dma_semaphore, #tpu.memory_space<semaphore_mem>>)
      %dma_wait3A = arith.constant 0 : i32
      %dma_wait3A_17 = tpu.memref_slice %arg6[%arg0, %mul3A_12, %dma_wait3A] : memref<2x10112x128xf32, #tpu.memory_space<hbm>> -> memref<1x632x128xf32, #tpu.memory_space<hbm>>
      %dma_wait3A_18 = tpu.memref_squeeze %dma_wait3A_17 : memref<1x632x128xf32, #tpu.memory_space<hbm>> -> memref<632x128xf32, #tpu.memory_space<hbm>>
      %dma_wait3A_19 = arith.constant 0 : i32
      %dma_wait3A_20 = tpu.memref_slice %arg11[%mul3A_10, %dma_wait3A_19] : memref<10112x128xf32, #tpu.memory_space<vmem_shared>> -> memref<632x128xf32, #tpu.memory_space<vmem_shared>>
      tpu.wait_dma2 semaphore(%run_scoped3A : memref<!tpu.dma_semaphore, #tpu.memory_space<semaphore_mem>>) src(%dma_wait3A_20 : memref<632x128xf32, #tpu.memory_space<vmem_shared>>) dst(%dma_wait3A_18 : memref<632x128xf32, #tpu.memory_space<hbm>>)
      tpu.yield
    }) : () -> ()
    return
  }
}

#map = affine_map<(d0, d1) -> (0, 0)>
#map1 = affine_map<(d0, d1) -> (0, 0, 0, 0)>
#map2 = affine_map<(d0, d1) -> (0, 0, 0)>
module attributes {stable_mosaic.version = 14 : i64} {
  func.func @_agg_body(%arg0: i32, %arg1: i32, %arg2: memref<20000x128xf32, #tpu.memory_space<hbm>>, %arg3: memref<2x16x160x128xi32, #tpu.memory_space<hbm>>, %arg4: memref<16x160x128xi32, #tpu.memory_space<hbm>>, %arg5: memref<10112x128xf32, #tpu.memory_space<hbm>>, %arg6: memref<2x10112x128xf32, #tpu.memory_space<hbm>>, %arg7: memref<32x128xi32, #tpu.memory_space<vmem>>, %arg8: memref<32x128xi32, #tpu.memory_space<vmem>>, %arg9: memref<128x128xf32, #tpu.memory_space<vmem>>, %arg10: memref<128x128xf32, #tpu.memory_space<vmem>>, %arg11: memref<10112x128xf32, #tpu.memory_space<vmem_shared>>, %arg12: memref<!tpu.dma_semaphore, #tpu.memory_space<semaphore_mem>>, %arg13: memref<!tpu.dma_semaphore, #tpu.memory_space<semaphore_mem>>) attributes {dimension_semantics = [#tpu.dimension_semantics<core_parallel>, #tpu.dimension_semantics<subcore_parallel>], iteration_bounds = array<i64: 2, 16>, scalar_prefetch = 0 : i64, scratch_operands = 7 : i64, tpu.core_type = #tpu.core_type<sc_vector_subcore>, window_params = [{transform_indices = #map}, {transform_indices = #map1}, {transform_indices = #map2}, {transform_indices = #map}, {transform_indices = #map2}]} {
    %mul3A = arith.constant 632 : i32
    %mul3A_0 = arith.muli %arg1, %mul3A : i32
    %mul3A_1 = arith.constant 632 : i32
    %mul3A_2 = arith.muli %arg1, %mul3A_1 : i32
    "tpu.region"() ({
      %run_scoped3A = tpu.sem_alloc : memref<!tpu.dma_semaphore, #tpu.memory_space<semaphore_mem>>
      %dma_start3A = arith.constant 0 : i32
      %dma_start3A_13 = tpu.memref_slice %arg11[%mul3A_2, %dma_start3A] : memref<10112x128xf32, #tpu.memory_space<vmem_shared>> -> memref<632x128xf32, #tpu.memory_space<vmem_shared>>
      %dma_start3A_14 = arith.constant 0 : i32
      %dma_start3A_15 = tpu.memref_slice %arg5[%mul3A_0, %dma_start3A_14] : memref<10112x128xf32, #tpu.memory_space<hbm>> -> memref<632x128xf32, #tpu.memory_space<hbm>>
      tpu.enqueue_dma source(%dma_start3A_15 : memref<632x128xf32, #tpu.memory_space<hbm>>) target(%dma_start3A_13 : memref<632x128xf32, #tpu.memory_space<vmem_shared>>) target_semaphore(%run_scoped3A : memref<!tpu.dma_semaphore, #tpu.memory_space<semaphore_mem>>)
      %dma_wait3A = arith.constant 0 : i32
      %dma_wait3A_16 = tpu.memref_slice %arg11[%mul3A_2, %dma_wait3A] : memref<10112x128xf32, #tpu.memory_space<vmem_shared>> -> memref<632x128xf32, #tpu.memory_space<vmem_shared>>
      %dma_wait3A_17 = arith.constant 0 : i32
      %dma_wait3A_18 = tpu.memref_slice %arg5[%mul3A_0, %dma_wait3A_17] : memref<10112x128xf32, #tpu.memory_space<hbm>> -> memref<632x128xf32, #tpu.memory_space<hbm>>
      tpu.wait_dma2 semaphore(%run_scoped3A : memref<!tpu.dma_semaphore, #tpu.memory_space<semaphore_mem>>) src(%dma_wait3A_18 : memref<632x128xf32, #tpu.memory_space<hbm>>) dst(%dma_wait3A_16 : memref<632x128xf32, #tpu.memory_space<vmem_shared>>)
      tpu.yield
    }) : () -> ()
    %barrier3A = arith.constant 0 : index
    tpu.barrier barrier_id(%barrier3A)
    %scan3A = arith.constant 0 : i32
    %scan3A_3 = arith.constant 0 : i32
    %scan3A_4 = arith.constant 5 : i32
    %scan3A_5 = arith.addi %scan3A_3, %scan3A_4 : i32
    %scan3A_6 = arith.constant 1 : i32
    scf.for %scan3A_13 = %scan3A_3 to %scan3A_5 step %scan3A_6  : i32 {
      %mul3A_14 = arith.constant 32 : i32
      %mul3A_15 = arith.muli %scan3A_13, %mul3A_14 : i32
      "tpu.region"() ({
        %run_scoped3A = tpu.sem_alloc : memref<!tpu.dma_semaphore, #tpu.memory_space<semaphore_mem>>
        %dma_start3A_36 = arith.constant 0 : i32
        %dma_start3A_37 = tpu.memref_slice %arg3[%arg0, %arg1, %mul3A_15, %dma_start3A_36] : memref<2x16x160x128xi32, #tpu.memory_space<hbm>> -> memref<1x1x32x128xi32, #tpu.memory_space<hbm>>
        %dma_start3A_38 = tpu.memref_squeeze %dma_start3A_37 : memref<1x1x32x128xi32, #tpu.memory_space<hbm>> -> memref<32x128xi32, #tpu.memory_space<hbm>>
        %dma_start3A_39 = arith.constant 0 : i32
        %dma_start3A_40 = tpu.memref_slice %arg3[%arg0, %arg1, %mul3A_15, %dma_start3A_39] : memref<2x16x160x128xi32, #tpu.memory_space<hbm>> -> memref<1x1x32x128xi32, #tpu.memory_space<hbm>>
        %dma_start3A_41 = tpu.memref_squeeze %dma_start3A_40 : memref<1x1x32x128xi32, #tpu.memory_space<hbm>> -> memref<32x128xi32, #tpu.memory_space<hbm>>
        tpu.enqueue_dma source(%dma_start3A_41 : memref<32x128xi32, #tpu.memory_space<hbm>>) target(%arg7 : memref<32x128xi32, #tpu.memory_space<vmem>>) target_semaphore(%run_scoped3A : memref<!tpu.dma_semaphore, #tpu.memory_space<semaphore_mem>>)
        %dma_wait3A = arith.constant 0 : i32
        %dma_wait3A_42 = tpu.memref_slice %arg3[%arg0, %arg1, %mul3A_15, %dma_wait3A] : memref<2x16x160x128xi32, #tpu.memory_space<hbm>> -> memref<1x1x32x128xi32, #tpu.memory_space<hbm>>
        %dma_wait3A_43 = tpu.memref_squeeze %dma_wait3A_42 : memref<1x1x32x128xi32, #tpu.memory_space<hbm>> -> memref<32x128xi32, #tpu.memory_space<hbm>>
        %dma_wait3A_44 = arith.constant 0 : i32
        %dma_wait3A_45 = tpu.memref_slice %arg3[%arg0, %arg1, %mul3A_15, %dma_wait3A_44] : memref<2x16x160x128xi32, #tpu.memory_space<hbm>> -> memref<1x1x32x128xi32, #tpu.memory_space<hbm>>
        %dma_wait3A_46 = tpu.memref_squeeze %dma_wait3A_45 : memref<1x1x32x128xi32, #tpu.memory_space<hbm>> -> memref<32x128xi32, #tpu.memory_space<hbm>>
        tpu.wait_dma2 semaphore(%run_scoped3A : memref<!tpu.dma_semaphore, #tpu.memory_space<semaphore_mem>>) src(%dma_wait3A_46 : memref<32x128xi32, #tpu.memory_space<hbm>>) dst(%arg7 : memref<32x128xi32, #tpu.memory_space<vmem>>)
        tpu.yield
      }) : () -> ()
      %mul3A_16 = arith.constant 32 : i32
      %mul3A_17 = arith.muli %scan3A_13, %mul3A_16 : i32
      "tpu.region"() ({
        %run_scoped3A = tpu.sem_alloc : memref<!tpu.dma_semaphore, #tpu.memory_space<semaphore_mem>>
        %dma_start3A_36 = arith.constant 0 : i32
        %dma_start3A_37 = tpu.memref_slice %arg4[%arg1, %mul3A_17, %dma_start3A_36] : memref<16x160x128xi32, #tpu.memory_space<hbm>> -> memref<1x32x128xi32, #tpu.memory_space<hbm>>
        %dma_start3A_38 = tpu.memref_squeeze %dma_start3A_37 : memref<1x32x128xi32, #tpu.memory_space<hbm>> -> memref<32x128xi32, #tpu.memory_space<hbm>>
        %dma_start3A_39 = arith.constant 0 : i32
        %dma_start3A_40 = tpu.memref_slice %arg4[%arg1, %mul3A_17, %dma_start3A_39] : memref<16x160x128xi32, #tpu.memory_space<hbm>> -> memref<1x32x128xi32, #tpu.memory_space<hbm>>
        %dma_start3A_41 = tpu.memref_squeeze %dma_start3A_40 : memref<1x32x128xi32, #tpu.memory_space<hbm>> -> memref<32x128xi32, #tpu.memory_space<hbm>>
        tpu.enqueue_dma source(%dma_start3A_41 : memref<32x128xi32, #tpu.memory_space<hbm>>) target(%arg8 : memref<32x128xi32, #tpu.memory_space<vmem>>) target_semaphore(%run_scoped3A : memref<!tpu.dma_semaphore, #tpu.memory_space<semaphore_mem>>)
        %dma_wait3A = arith.constant 0 : i32
        %dma_wait3A_42 = tpu.memref_slice %arg4[%arg1, %mul3A_17, %dma_wait3A] : memref<16x160x128xi32, #tpu.memory_space<hbm>> -> memref<1x32x128xi32, #tpu.memory_space<hbm>>
        %dma_wait3A_43 = tpu.memref_squeeze %dma_wait3A_42 : memref<1x32x128xi32, #tpu.memory_space<hbm>> -> memref<32x128xi32, #tpu.memory_space<hbm>>
        %dma_wait3A_44 = arith.constant 0 : i32
        %dma_wait3A_45 = tpu.memref_slice %arg4[%arg1, %mul3A_17, %dma_wait3A_44] : memref<16x160x128xi32, #tpu.memory_space<hbm>> -> memref<1x32x128xi32, #tpu.memory_space<hbm>>
        %dma_wait3A_46 = tpu.memref_squeeze %dma_wait3A_45 : memref<1x32x128xi32, #tpu.memory_space<hbm>> -> memref<32x128xi32, #tpu.memory_space<hbm>>
        tpu.wait_dma2 semaphore(%run_scoped3A : memref<!tpu.dma_semaphore, #tpu.memory_space<semaphore_mem>>) src(%dma_wait3A_46 : memref<32x128xi32, #tpu.memory_space<hbm>>) dst(%arg8 : memref<32x128xi32, #tpu.memory_space<vmem>>)
        tpu.yield
      }) : () -> ()
      %dma_start3A = arith.constant 0 : i32
      %dma_start3A_18 = arith.constant 0 : i32
      %dma_start3A_19 = tpu.memref_slice %arg7[%dma_start3A, %dma_start3A_18] : memref<32x128xi32, #tpu.memory_space<vmem>> -> memref<1x128xi32, #tpu.memory_space<vmem>>
      %dma_start3A_20 = tpu.memref_squeeze %dma_start3A_19 : memref<1x128xi32, #tpu.memory_space<vmem>> -> memref<128xi32, #tpu.memory_space<vmem>>
      %dma_start3A_21 = arith.constant 0 : i32
      %dma_start3A_22 = arith.constant 0 : i32
      %dma_start3A_23 = tpu.memref_slice %arg2[%dma_start3A_21, %dma_start3A_22] : memref<20000x128xf32, #tpu.memory_space<hbm>> -> memref<20000x128xf32, #tpu.memory_space<hbm>>
      tpu.enqueue_indirect_dma source(%dma_start3A_23 : memref<20000x128xf32, #tpu.memory_space<hbm>>) target(%arg9 : memref<128x128xf32, #tpu.memory_space<vmem>>) offsets(%dma_start3A_20 : memref<128xi32, #tpu.memory_space<vmem>>) semaphore(%arg12 : memref<!tpu.dma_semaphore, #tpu.memory_space<semaphore_mem>>)
      %dma_start3A_24 = arith.constant 1 : i32
      %dma_start3A_25 = arith.constant 0 : i32
      %dma_start3A_26 = tpu.memref_slice %arg7[%dma_start3A_24, %dma_start3A_25] : memref<32x128xi32, #tpu.memory_space<vmem>> -> memref<1x128xi32, #tpu.memory_space<vmem>>
      %dma_start3A_27 = tpu.memref_squeeze %dma_start3A_26 : memref<1x128xi32, #tpu.memory_space<vmem>> -> memref<128xi32, #tpu.memory_space<vmem>>
      %dma_start3A_28 = arith.constant 0 : i32
      %dma_start3A_29 = arith.constant 0 : i32
      %dma_start3A_30 = tpu.memref_slice %arg2[%dma_start3A_28, %dma_start3A_29] : memref<20000x128xf32, #tpu.memory_space<hbm>> -> memref<20000x128xf32, #tpu.memory_space<hbm>>
      tpu.enqueue_indirect_dma source(%dma_start3A_30 : memref<20000x128xf32, #tpu.memory_space<hbm>>) target(%arg10 : memref<128x128xf32, #tpu.memory_space<vmem>>) offsets(%dma_start3A_27 : memref<128xi32, #tpu.memory_space<vmem>>) semaphore(%arg13 : memref<!tpu.dma_semaphore, #tpu.memory_space<semaphore_mem>>)
      %scan3A_31 = arith.constant 0 : i32
      %scan3A_32 = arith.constant 16 : i32
      %scan3A_33 = arith.addi %scan3A_31, %scan3A_32 : i32
      %scan3A_34 = arith.constant 1 : i32
      scf.for %scan3A_36 = %scan3A_31 to %scan3A_33 step %scan3A_34  : i32 {
        %mul3A_37 = arith.constant 2 : i32
        %mul3A_38 = arith.muli %mul3A_37, %scan3A_36 : i32
        %add3A = arith.constant 0 : i32
        %add3A_39 = arith.addi %mul3A_38, %add3A : i32
        %dma_wait3A = arith.constant 0 : i32
        %dma_wait3A_40 = tpu.memref_slice %arg7[%add3A_39, %dma_wait3A] : memref<32x128xi32, #tpu.memory_space<vmem>> -> memref<1x128xi32, #tpu.memory_space<vmem>>
        %dma_wait3A_41 = tpu.memref_squeeze %dma_wait3A_40 : memref<1x128xi32, #tpu.memory_space<vmem>> -> memref<128xi32, #tpu.memory_space<vmem>>
        %dma_wait3A_42 = arith.constant 0 : i32
        %dma_wait3A_43 = arith.constant 0 : i32
        %dma_wait3A_44 = tpu.memref_slice %arg2[%dma_wait3A_42, %dma_wait3A_43] : memref<20000x128xf32, #tpu.memory_space<hbm>> -> memref<20000x128xf32, #tpu.memory_space<hbm>>
        tpu.wait_indirect_dma semaphore(%arg12 : memref<!tpu.dma_semaphore, #tpu.memory_space<semaphore_mem>>) src(%dma_wait3A_44 : memref<20000x128xf32, #tpu.memory_space<hbm>>) dst(%arg9 : memref<128x128xf32, #tpu.memory_space<vmem>>)
        "tpu.region"() ({
          %run_scoped3A = tpu.sem_alloc : memref<!tpu.dma_semaphore, #tpu.memory_space<semaphore_mem>>
          %dma_start3A_66 = arith.constant 0 : i32
          %dma_start3A_67 = tpu.memref_slice %arg8[%add3A_39, %dma_start3A_66] : memref<32x128xi32, #tpu.memory_space<vmem>> -> memref<1x128xi32, #tpu.memory_space<vmem>>
          %dma_start3A_68 = tpu.memref_squeeze %dma_start3A_67 : memref<1x128xi32, #tpu.memory_space<vmem>> -> memref<128xi32, #tpu.memory_space<vmem>>
          %dma_start3A_69 = arith.constant 0 : i32
          %dma_start3A_70 = arith.constant 0 : i32
          %dma_start3A_71 = tpu.memref_slice %arg11[%dma_start3A_69, %dma_start3A_70] : memref<10112x128xf32, #tpu.memory_space<vmem_shared>> -> memref<10112x128xf32, #tpu.memory_space<vmem_shared>>
          tpu.enqueue_indirect_dma source(%arg9 : memref<128x128xf32, #tpu.memory_space<vmem>>) target(%dma_start3A_71 : memref<10112x128xf32, #tpu.memory_space<vmem_shared>>) offsets(%dma_start3A_68 : memref<128xi32, #tpu.memory_space<vmem>>) semaphore(%run_scoped3A : memref<!tpu.dma_semaphore, #tpu.memory_space<semaphore_mem>>) {add = true}
          %dma_wait3A_72 = arith.constant 0 : i32
          %dma_wait3A_73 = tpu.memref_slice %arg8[%add3A_39, %dma_wait3A_72] : memref<32x128xi32, #tpu.memory_space<vmem>> -> memref<1x128xi32, #tpu.memory_space<vmem>>
          %dma_wait3A_74 = tpu.memref_squeeze %dma_wait3A_73 : memref<1x128xi32, #tpu.memory_space<vmem>> -> memref<128xi32, #tpu.memory_space<vmem>>
          %dma_wait3A_75 = arith.constant 0 : i32
          %dma_wait3A_76 = arith.constant 0 : i32
          %dma_wait3A_77 = tpu.memref_slice %arg11[%dma_wait3A_75, %dma_wait3A_76] : memref<10112x128xf32, #tpu.memory_space<vmem_shared>> -> memref<10112x128xf32, #tpu.memory_space<vmem_shared>>
          tpu.wait_indirect_dma semaphore(%run_scoped3A : memref<!tpu.dma_semaphore, #tpu.memory_space<semaphore_mem>>) src(%arg9 : memref<128x128xf32, #tpu.memory_space<vmem>>) dst(%dma_wait3A_77 : memref<10112x128xf32, #tpu.memory_space<vmem_shared>>)
          tpu.yield
        }) : () -> ()
        %add3A_45 = arith.constant 2 : i32
        %add3A_46 = arith.addi %add3A_39, %add3A_45 : i32
        %lt3A = arith.constant 32 : i32
        %lt3A_47 = arith.cmpi slt, %add3A_46, %lt3A : i32
        %convert_element_type3A = arith.extui %lt3A_47 : i1 to i32
        %cond3A = arith.constant 0 : i32
        %cond3A_48 = arith.cmpi ne, %convert_element_type3A, %cond3A : i32
        scf.if %cond3A_48 {
          %add3A_66 = arith.constant 2 : i32
          %add3A_67 = arith.addi %add3A_39, %add3A_66 : i32
          %dma_start3A_68 = arith.constant 0 : i32
          %dma_start3A_69 = tpu.memref_slice %arg7[%add3A_67, %dma_start3A_68] : memref<32x128xi32, #tpu.memory_space<vmem>> -> memref<1x128xi32, #tpu.memory_space<vmem>>
          %dma_start3A_70 = tpu.memref_squeeze %dma_start3A_69 : memref<1x128xi32, #tpu.memory_space<vmem>> -> memref<128xi32, #tpu.memory_space<vmem>>
          %dma_start3A_71 = arith.constant 0 : i32
          %dma_start3A_72 = arith.constant 0 : i32
          %dma_start3A_73 = tpu.memref_slice %arg2[%dma_start3A_71, %dma_start3A_72] : memref<20000x128xf32, #tpu.memory_space<hbm>> -> memref<20000x128xf32, #tpu.memory_space<hbm>>
          tpu.enqueue_indirect_dma source(%dma_start3A_73 : memref<20000x128xf32, #tpu.memory_space<hbm>>) target(%arg9 : memref<128x128xf32, #tpu.memory_space<vmem>>) offsets(%dma_start3A_70 : memref<128xi32, #tpu.memory_space<vmem>>) semaphore(%arg12 : memref<!tpu.dma_semaphore, #tpu.memory_space<semaphore_mem>>)
        } else {
        }
        %mul3A_49 = arith.constant 2 : i32
        %mul3A_50 = arith.muli %mul3A_49, %scan3A_36 : i32
        %add3A_51 = arith.constant 1 : i32
        %add3A_52 = arith.addi %mul3A_50, %add3A_51 : i32
        %dma_wait3A_53 = arith.constant 0 : i32
        %dma_wait3A_54 = tpu.memref_slice %arg7[%add3A_52, %dma_wait3A_53] : memref<32x128xi32, #tpu.memory_space<vmem>> -> memref<1x128xi32, #tpu.memory_space<vmem>>
        %dma_wait3A_55 = tpu.memref_squeeze %dma_wait3A_54 : memref<1x128xi32, #tpu.memory_space<vmem>> -> memref<128xi32, #tpu.memory_space<vmem>>
        %dma_wait3A_56 = arith.constant 0 : i32
        %dma_wait3A_57 = arith.constant 0 : i32
        %dma_wait3A_58 = tpu.memref_slice %arg2[%dma_wait3A_56, %dma_wait3A_57] : memref<20000x128xf32, #tpu.memory_space<hbm>> -> memref<20000x128xf32, #tpu.memory_space<hbm>>
        tpu.wait_indirect_dma semaphore(%arg13 : memref<!tpu.dma_semaphore, #tpu.memory_space<semaphore_mem>>) src(%dma_wait3A_58 : memref<20000x128xf32, #tpu.memory_space<hbm>>) dst(%arg10 : memref<128x128xf32, #tpu.memory_space<vmem>>)
        "tpu.region"() ({
          %run_scoped3A = tpu.sem_alloc : memref<!tpu.dma_semaphore, #tpu.memory_space<semaphore_mem>>
          %dma_start3A_66 = arith.constant 0 : i32
          %dma_start3A_67 = tpu.memref_slice %arg8[%add3A_52, %dma_start3A_66] : memref<32x128xi32, #tpu.memory_space<vmem>> -> memref<1x128xi32, #tpu.memory_space<vmem>>
          %dma_start3A_68 = tpu.memref_squeeze %dma_start3A_67 : memref<1x128xi32, #tpu.memory_space<vmem>> -> memref<128xi32, #tpu.memory_space<vmem>>
          %dma_start3A_69 = arith.constant 0 : i32
          %dma_start3A_70 = arith.constant 0 : i32
          %dma_start3A_71 = tpu.memref_slice %arg11[%dma_start3A_69, %dma_start3A_70] : memref<10112x128xf32, #tpu.memory_space<vmem_shared>> -> memref<10112x128xf32, #tpu.memory_space<vmem_shared>>
          tpu.enqueue_indirect_dma source(%arg10 : memref<128x128xf32, #tpu.memory_space<vmem>>) target(%dma_start3A_71 : memref<10112x128xf32, #tpu.memory_space<vmem_shared>>) offsets(%dma_start3A_68 : memref<128xi32, #tpu.memory_space<vmem>>) semaphore(%run_scoped3A : memref<!tpu.dma_semaphore, #tpu.memory_space<semaphore_mem>>) {add = true}
          %dma_wait3A_72 = arith.constant 0 : i32
          %dma_wait3A_73 = tpu.memref_slice %arg8[%add3A_52, %dma_wait3A_72] : memref<32x128xi32, #tpu.memory_space<vmem>> -> memref<1x128xi32, #tpu.memory_space<vmem>>
          %dma_wait3A_74 = tpu.memref_squeeze %dma_wait3A_73 : memref<1x128xi32, #tpu.memory_space<vmem>> -> memref<128xi32, #tpu.memory_space<vmem>>
          %dma_wait3A_75 = arith.constant 0 : i32
          %dma_wait3A_76 = arith.constant 0 : i32
          %dma_wait3A_77 = tpu.memref_slice %arg11[%dma_wait3A_75, %dma_wait3A_76] : memref<10112x128xf32, #tpu.memory_space<vmem_shared>> -> memref<10112x128xf32, #tpu.memory_space<vmem_shared>>
          tpu.wait_indirect_dma semaphore(%run_scoped3A : memref<!tpu.dma_semaphore, #tpu.memory_space<semaphore_mem>>) src(%arg10 : memref<128x128xf32, #tpu.memory_space<vmem>>) dst(%dma_wait3A_77 : memref<10112x128xf32, #tpu.memory_space<vmem_shared>>)
          tpu.yield
        }) : () -> ()
        %add3A_59 = arith.constant 2 : i32
        %add3A_60 = arith.addi %add3A_52, %add3A_59 : i32
        %lt3A_61 = arith.constant 32 : i32
        %lt3A_62 = arith.cmpi slt, %add3A_60, %lt3A_61 : i32
        %convert_element_type3A_63 = arith.extui %lt3A_62 : i1 to i32
        %cond3A_64 = arith.constant 0 : i32
        %cond3A_65 = arith.cmpi ne, %convert_element_type3A_63, %cond3A_64 : i32
        scf.if %cond3A_65 {
          %add3A_66 = arith.constant 2 : i32
          %add3A_67 = arith.addi %add3A_52, %add3A_66 : i32
          %dma_start3A_68 = arith.constant 0 : i32
          %dma_start3A_69 = tpu.memref_slice %arg7[%add3A_67, %dma_start3A_68] : memref<32x128xi32, #tpu.memory_space<vmem>> -> memref<1x128xi32, #tpu.memory_space<vmem>>
          %dma_start3A_70 = tpu.memref_squeeze %dma_start3A_69 : memref<1x128xi32, #tpu.memory_space<vmem>> -> memref<128xi32, #tpu.memory_space<vmem>>
          %dma_start3A_71 = arith.constant 0 : i32
          %dma_start3A_72 = arith.constant 0 : i32
          %dma_start3A_73 = tpu.memref_slice %arg2[%dma_start3A_71, %dma_start3A_72] : memref<20000x128xf32, #tpu.memory_space<hbm>> -> memref<20000x128xf32, #tpu.memory_space<hbm>>
          tpu.enqueue_indirect_dma source(%dma_start3A_73 : memref<20000x128xf32, #tpu.memory_space<hbm>>) target(%arg10 : memref<128x128xf32, #tpu.memory_space<vmem>>) offsets(%dma_start3A_70 : memref<128xi32, #tpu.memory_space<vmem>>) semaphore(%arg13 : memref<!tpu.dma_semaphore, #tpu.memory_space<semaphore_mem>>)
        } else {
        }
      }
      %scan3A_35 = arith.constant 16 : i32
    }
    %scan3A_7 = arith.constant 5 : i32
    %barrier3A_8 = arith.constant 0 : index
    tpu.barrier barrier_id(%barrier3A_8)
    %mul3A_9 = arith.constant 632 : i32
    %mul3A_10 = arith.muli %arg1, %mul3A_9 : i32
    %mul3A_11 = arith.constant 632 : i32
    %mul3A_12 = arith.muli %arg1, %mul3A_11 : i32
    "tpu.region"() ({
      %run_scoped3A = tpu.sem_alloc : memref<!tpu.dma_semaphore, #tpu.memory_space<semaphore_mem>>
      %dma_start3A = arith.constant 0 : i32
      %dma_start3A_13 = tpu.memref_slice %arg6[%arg0, %mul3A_12, %dma_start3A] : memref<2x10112x128xf32, #tpu.memory_space<hbm>> -> memref<1x632x128xf32, #tpu.memory_space<hbm>>
      %dma_start3A_14 = tpu.memref_squeeze %dma_start3A_13 : memref<1x632x128xf32, #tpu.memory_space<hbm>> -> memref<632x128xf32, #tpu.memory_space<hbm>>
      %dma_start3A_15 = arith.constant 0 : i32
      %dma_start3A_16 = tpu.memref_slice %arg11[%mul3A_10, %dma_start3A_15] : memref<10112x128xf32, #tpu.memory_space<vmem_shared>> -> memref<632x128xf32, #tpu.memory_space<vmem_shared>>
      tpu.enqueue_dma source(%dma_start3A_16 : memref<632x128xf32, #tpu.memory_space<vmem_shared>>) target(%dma_start3A_14 : memref<632x128xf32, #tpu.memory_space<hbm>>) target_semaphore(%run_scoped3A : memref<!tpu.dma_semaphore, #tpu.memory_space<semaphore_mem>>)
      %dma_wait3A = arith.constant 0 : i32
      %dma_wait3A_17 = tpu.memref_slice %arg6[%arg0, %mul3A_12, %dma_wait3A] : memref<2x10112x128xf32, #tpu.memory_space<hbm>> -> memref<1x632x128xf32, #tpu.memory_space<hbm>>
      %dma_wait3A_18 = tpu.memref_squeeze %dma_wait3A_17 : memref<1x632x128xf32, #tpu.memory_space<hbm>> -> memref<632x128xf32, #tpu.memory_space<hbm>>
      %dma_wait3A_19 = arith.constant 0 : i32
      %dma_wait3A_20 = tpu.memref_slice %arg11[%mul3A_10, %dma_wait3A_19] : memref<10112x128xf32, #tpu.memory_space<vmem_shared>> -> memref<632x128xf32, #tpu.memory_space<vmem_shared>>
      tpu.wait_dma2 semaphore(%run_scoped3A : memref<!tpu.dma_semaphore, #tpu.memory_space<semaphore_mem>>) src(%dma_wait3A_20 : memref<632x128xf32, #tpu.memory_space<vmem_shared>>) dst(%dma_wait3A_18 : memref<632x128xf32, #tpu.memory_space<hbm>>)
      tpu.yield
    }) : () -> ()
    return
  }
}

module attributes {stable_mosaic.version = 14 : i64} {
  func.func @_enc_body(%arg0: i32, %arg1: memref<1000x128xf32, #tpu.memory_space<vmem>>, %arg2: memref<128x256xf32, #tpu.memory_space<vmem>>, %arg3: memref<1x256xf32, #tpu.memory_space<vmem>>, %arg4: memref<1000x256xf32, #tpu.memory_space<vmem>>) attributes {dimension_semantics = [#tpu.dimension_semantics<arbitrary>], iteration_bounds = array<i64: 10>, scalar_prefetch = 0 : i64, scratch_operands = 0 : i64, tpu.core_type = #tpu.core_type<tc>, window_params = [{transform_indices = @transform_0, window_bounds = array<i64: 1000, 128>}, {pipeline_mode = #tpu.pipeline_mode<synchronous>, transform_indices = @transform_1, window_bounds = array<i64: 128, 256>}, {pipeline_mode = #tpu.pipeline_mode<synchronous>, transform_indices = @transform_2, window_bounds = array<i64: 1, 256>}, {transform_indices = @transform_3, window_bounds = array<i64: 1000, 256>}]} {
    %get3A = arith.constant 0 : index
    %get3A_0 = arith.constant 0 : index
    %get3A_1 = vector.load %arg1[%get3A, %get3A_0] : memref<1000x128xf32, #tpu.memory_space<vmem>>, vector<1000x128xf32>
    %get3A_2 = arith.constant 0 : index
    %get3A_3 = arith.constant 0 : index
    %get3A_4 = vector.load %arg2[%get3A_2, %get3A_3] : memref<128x256xf32, #tpu.memory_space<vmem>>, vector<128x256xf32>
    %convert_element_type3A = arith.truncf %get3A_1 : vector<1000x128xf32> to vector<1000x128xbf16>
    %convert_element_type3A_5 = arith.truncf %get3A_4 : vector<128x256xf32> to vector<128x256xbf16>
    %dot_general3A = arith.constant dense<0.000000e+00> : vector<1000x256xf32>
    %dot_general3A_6 = tpu.matmul %convert_element_type3A, %convert_element_type3A_5, %dot_general3A {dimension_numbers = #tpu.dot_dimension_numbers<[1], [0], [0], [1], [0, 0, 1, 1], [], []>, transpose_lhs_hint = false} : vector<1000x128xbf16>, vector<128x256xbf16>, vector<1000x256xf32> -> vector<1000x256xf32>
    %get3A_7 = arith.constant 0 : index
    %get3A_8 = arith.constant 0 : index
    %get3A_9 = vector.load %arg3[%get3A_7, %get3A_8] : memref<1x256xf32, #tpu.memory_space<vmem>>, vector<1x256xf32>
    %add3A = vector.broadcast %get3A_9 : vector<1x256xf32> to vector<1000x256xf32>
    %add3A_10 = arith.addf %dot_general3A_6, %add3A : vector<1000x256xf32>
    %max3A = arith.constant 0.000000e+00 : f32
    %max3A_11 = vector.broadcast %max3A : f32 to vector<1000x256xf32>
    %max3A_12 = arith.maximumf %add3A_10, %max3A_11 : vector<1000x256xf32>
    %swap3A = arith.constant 0 : index
    %swap3A_13 = arith.constant 0 : index
    %swap3A_14 = vector.load %arg4[%swap3A, %swap3A_13] : memref<1000x256xf32, #tpu.memory_space<vmem>>, vector<1000x256xf32>
    tpu.vector_store %arg4[%swap3A, %swap3A_13], %max3A_12 {strides = array<i32>} : memref<1000x256xf32, #tpu.memory_space<vmem>>, vector<1000x256xf32>,
    return
  }
  func.func @transform_0(%arg0: i32) -> (i32, i32) {
    %c0_i32 = arith.constant 0 : i32
    %c0_i32_0 = arith.constant 0 : i32
    return %arg0, %c0_i32 : i32, i32
  }
  func.func @transform_1(%arg0: i32) -> (i32, i32) {
    %c0_i32 = arith.constant 0 : i32
    %c0_i32_0 = arith.constant 0 : i32
    %c0_i32_1 = arith.constant 0 : i32
    return %c0_i32, %c0_i32_0 : i32, i32
  }
  func.func @transform_2(%arg0: i32) -> (i32, i32) {
    %c0_i32 = arith.constant 0 : i32
    %c0_i32_0 = arith.constant 0 : i32
    %c0_i32_1 = arith.constant 0 : i32
    return %c0_i32, %c0_i32_0 : i32, i32
  }
  func.func @transform_3(%arg0: i32) -> (i32, i32) {
    %c0_i32 = arith.constant 0 : i32
    %c0_i32_0 = arith.constant 0 : i32
    return %arg0, %c0_i32 : i32, i32
  }
}

module attributes {stable_mosaic.version = 14 : i64} {
  func.func @_mm_scale_body(%arg0: i32, %arg1: memref<1000x256xf32, #tpu.memory_space<vmem>>, %arg2: memref<256x256xf32, #tpu.memory_space<vmem>>, %arg3: memref<2x1000x128xf32, #tpu.memory_space<vmem>>, %arg4: memref<2x1000x128xf32, #tpu.memory_space<vmem>>) attributes {dimension_semantics = [#tpu.dimension_semantics<arbitrary>], iteration_bounds = array<i64: 10>, scalar_prefetch = 0 : i64, scratch_operands = 0 : i64, tpu.core_type = #tpu.core_type<tc>, window_params = [{transform_indices = @transform_0, window_bounds = array<i64: 1000, 256>}, {pipeline_mode = #tpu.pipeline_mode<synchronous>, transform_indices = @transform_1, window_bounds = array<i64: 256, 256>}, {transform_indices = @transform_2, window_bounds = array<i64: 2, 1000, 128>}, {transform_indices = @transform_3, window_bounds = array<i64: 2, 1000, 128>}]} {
    %get3A = arith.constant 0 : index
    %get3A_0 = arith.constant 0 : index
    %get3A_1 = vector.load %arg1[%get3A, %get3A_0] : memref<1000x256xf32, #tpu.memory_space<vmem>>, vector<1000x256xf32>
    %get3A_2 = arith.constant 0 : index
    %get3A_3 = arith.constant 0 : index
    %get3A_4 = vector.load %arg2[%get3A_2, %get3A_3] : memref<256x256xf32, #tpu.memory_space<vmem>>, vector<256x256xf32>
    %convert_element_type3A = arith.truncf %get3A_1 : vector<1000x256xf32> to vector<1000x256xbf16>
    %convert_element_type3A_5 = arith.truncf %get3A_4 : vector<256x256xf32> to vector<256x256xbf16>
    %dot_general3A = arith.constant dense<0.000000e+00> : vector<1000x256xf32>
    %dot_general3A_6 = tpu.matmul %convert_element_type3A, %convert_element_type3A_5, %dot_general3A {dimension_numbers = #tpu.dot_dimension_numbers<[1], [0], [0], [1], [0, 0, 1, 1], [], []>, transpose_lhs_hint = false} : vector<1000x256xbf16>, vector<256x256xbf16>, vector<1000x256xf32> -> vector<1000x256xf32>
    %get3A_7 = arith.constant 0 : index
    %get3A_8 = arith.constant 0 : index
    %get3A_9 = arith.constant 0 : index
    %get3A_10 = vector.load %arg3[%get3A_7, %get3A_8, %get3A_9] : memref<2x1000x128xf32, #tpu.memory_space<vmem>>, vector<2x1000x128xf32>
    %slice3A = vector.extract_strided_slice %get3A_10 {offsets = [0, 0, 0], sizes = [1, 1000, 1], strides = [1, 1, 1]} : vector<2x1000x128xf32> to vector<1x1000x1xf32>
    %squeeze3A = vector.shape_cast %slice3A : vector<1x1000x1xf32> to vector<1000x1xf32>
    %add3A = arith.constant 1.000000e+00 : f32
    %add3A_11 = vector.broadcast %add3A : f32 to vector<1000x1xf32>
    %add3A_12 = arith.addf %add3A_11, %squeeze3A : vector<1000x1xf32>
    %slice3A_13 = vector.extract_strided_slice %get3A_10 {offsets = [1, 0, 0], sizes = [1, 1000, 1], strides = [1, 1, 1]} : vector<2x1000x128xf32> to vector<1x1000x1xf32>
    %squeeze3A_14 = vector.shape_cast %slice3A_13 : vector<1x1000x1xf32> to vector<1000x1xf32>
    %add3A_15 = arith.addf %add3A_12, %squeeze3A_14 : vector<1000x1xf32>
    %rsqrt3A = math.rsqrt %add3A_15 : vector<1000x1xf32>
    %mul3A = arith.constant 5.000000e-01 : f32
    %mul3A_16 = vector.broadcast %mul3A : f32 to vector<1000x1xf32>
    %mul3A_17 = arith.mulf %mul3A_16, %add3A_15 : vector<1000x1xf32>
    %mul3A_18 = arith.mulf %mul3A_17, %rsqrt3A : vector<1000x1xf32>
    %mul3A_19 = arith.mulf %mul3A_18, %rsqrt3A : vector<1000x1xf32>
    %sub3A = arith.constant 1.500000e+00 : f32
    %sub3A_20 = vector.broadcast %sub3A : f32 to vector<1000x1xf32>
    %sub3A_21 = arith.subf %sub3A_20, %mul3A_19 : vector<1000x1xf32>
    %mul3A_22 = arith.mulf %rsqrt3A, %sub3A_21 : vector<1000x1xf32>
    %mul3A_23 = vector.broadcast %mul3A_22 : vector<1000x1xf32> to vector<1000x256xf32>
    %mul3A_24 = arith.mulf %dot_general3A_6, %mul3A_23 : vector<1000x256xf32>
    %slice3A_25 = vector.extract_strided_slice %mul3A_24 {offsets = [0, 0], sizes = [1000, 128], strides = [1, 1]} : vector<1000x256xf32> to vector<1000x128xf32>
    %swap3A = arith.constant 0 : index
    %swap3A_26 = arith.constant 0 : index
    %swap3A_27 = arith.constant 0 : index
    %swap3A_28 = vector.load %arg4[%swap3A, %swap3A_26, %swap3A_27] : memref<2x1000x128xf32, #tpu.memory_space<vmem>>, vector<1x1000x128xf32>
    %swap3A_29 = vector.shape_cast %swap3A_28 : vector<1x1000x128xf32> to vector<1000x128xf32>
    %swap3A_30 = vector.shape_cast %slice3A_25 : vector<1000x128xf32> to vector<1x1000x128xf32>
    tpu.vector_store %arg4[%swap3A, %swap3A_26, %swap3A_27], %swap3A_30 {strides = array<i32>} : memref<2x1000x128xf32, #tpu.memory_space<vmem>>, vector<1x1000x128xf32>,
    %slice3A_31 = vector.extract_strided_slice %mul3A_24 {offsets = [0, 128], sizes = [1000, 128], strides = [1, 1]} : vector<1000x256xf32> to vector<1000x128xf32>
    %swap3A_32 = arith.constant 1 : index
    %swap3A_33 = arith.constant 0 : index
    %swap3A_34 = arith.constant 0 : index
    %swap3A_35 = vector.load %arg4[%swap3A_32, %swap3A_33, %swap3A_34] : memref<2x1000x128xf32, #tpu.memory_space<vmem>>, vector<1x1000x128xf32>
    %swap3A_36 = vector.shape_cast %swap3A_35 : vector<1x1000x128xf32> to vector<1000x128xf32>
    %swap3A_37 = vector.shape_cast %slice3A_31 : vector<1000x128xf32> to vector<1x1000x128xf32>
    tpu.vector_store %arg4[%swap3A_32, %swap3A_33, %swap3A_34], %swap3A_37 {strides = array<i32>} : memref<2x1000x128xf32, #tpu.memory_space<vmem>>, vector<1x1000x128xf32>,
    return
  }
  func.func @transform_0(%arg0: i32) -> (i32, i32) {
    %c0_i32 = arith.constant 0 : i32
    %c0_i32_0 = arith.constant 0 : i32
    return %arg0, %c0_i32 : i32, i32
  }
  func.func @transform_1(%arg0: i32) -> (i32, i32) {
    %c0_i32 = arith.constant 0 : i32
    %c0_i32_0 = arith.constant 0 : i32
    %c0_i32_1 = arith.constant 0 : i32
    return %c0_i32, %c0_i32_0 : i32, i32
  }
  func.func @transform_2(%arg0: i32) -> (i32, i32, i32) {
    %c0_i32 = arith.constant 0 : i32
    %c0_i32_0 = arith.constant 0 : i32
    %c0_i32_1 = arith.constant 0 : i32
    return %c0_i32, %arg0, %c0_i32_0 : i32, i32, i32
  }
  func.func @transform_3(%arg0: i32) -> (i32, i32, i32) {
    %c0_i32 = arith.constant 0 : i32
    %c0_i32_0 = arith.constant 0 : i32
    %c0_i32_1 = arith.constant 0 : i32
    return %c0_i32, %arg0, %c0_i32_0 : i32, i32, i32
  }
}

module attributes {stable_mosaic.version = 14 : i64} {
  func.func @_mm_combine_scale_body(%arg0: i32, %arg1: memref<2x1000x128xf32, #tpu.memory_space<vmem>>, %arg2: memref<2x1000x128xf32, #tpu.memory_space<vmem>>, %arg3: memref<2x1000x128xf32, #tpu.memory_space<vmem>>, %arg4: memref<1x256xf32, #tpu.memory_space<vmem>>, %arg5: memref<256x256xf32, #tpu.memory_space<vmem>>, %arg6: memref<2x1000x128xf32, #tpu.memory_space<vmem>>) attributes {dimension_semantics = [#tpu.dimension_semantics<arbitrary>], iteration_bounds = array<i64: 10>, scalar_prefetch = 0 : i64, scratch_operands = 0 : i64, tpu.core_type = #tpu.core_type<tc>, window_params = [{transform_indices = @transform_0, window_bounds = array<i64: 2, 1000, 128>}, {transform_indices = @transform_1, window_bounds = array<i64: 2, 1000, 128>}, {transform_indices = @transform_2, window_bounds = array<i64: 2, 1000, 128>}, {pipeline_mode = #tpu.pipeline_mode<synchronous>, transform_indices = @transform_3, window_bounds = array<i64: 1, 256>}, {pipeline_mode = #tpu.pipeline_mode<synchronous>, transform_indices = @transform_4, window_bounds = array<i64: 256, 256>}, {transform_indices = @transform_5, window_bounds = array<i64: 2, 1000, 128>}]} {
    %get3A = arith.constant 0 : index
    %get3A_0 = arith.constant 0 : index
    %get3A_1 = arith.constant 0 : index
    %get3A_2 = vector.load %arg3[%get3A, %get3A_0, %get3A_1] : memref<2x1000x128xf32, #tpu.memory_space<vmem>>, vector<2x1000x128xf32>
    %slice3A = vector.extract_strided_slice %get3A_2 {offsets = [0, 0, 0], sizes = [1, 1000, 1], strides = [1, 1, 1]} : vector<2x1000x128xf32> to vector<1x1000x1xf32>
    %squeeze3A = vector.shape_cast %slice3A : vector<1x1000x1xf32> to vector<1000x1xf32>
    %add3A = arith.constant 1.000000e+00 : f32
    %add3A_3 = vector.broadcast %add3A : f32 to vector<1000x1xf32>
    %add3A_4 = arith.addf %add3A_3, %squeeze3A : vector<1000x1xf32>
    %slice3A_5 = vector.extract_strided_slice %get3A_2 {offsets = [1, 0, 0], sizes = [1, 1000, 1], strides = [1, 1, 1]} : vector<2x1000x128xf32> to vector<1x1000x1xf32>
    %squeeze3A_6 = vector.shape_cast %slice3A_5 : vector<1x1000x1xf32> to vector<1000x1xf32>
    %add3A_7 = arith.addf %add3A_4, %squeeze3A_6 : vector<1000x1xf32>
    %rsqrt3A = math.rsqrt %add3A_7 : vector<1000x1xf32>
    %mul3A = arith.constant 5.000000e-01 : f32
    %mul3A_8 = vector.broadcast %mul3A : f32 to vector<1000x1xf32>
    %mul3A_9 = arith.mulf %mul3A_8, %add3A_7 : vector<1000x1xf32>
    %mul3A_10 = arith.mulf %mul3A_9, %rsqrt3A : vector<1000x1xf32>
    %mul3A_11 = arith.mulf %mul3A_10, %rsqrt3A : vector<1000x1xf32>
    %sub3A = arith.constant 1.500000e+00 : f32
    %sub3A_12 = vector.broadcast %sub3A : f32 to vector<1000x1xf32>
    %sub3A_13 = arith.subf %sub3A_12, %mul3A_11 : vector<1000x1xf32>
    %mul3A_14 = arith.mulf %rsqrt3A, %sub3A_13 : vector<1000x1xf32>
    %get3A_15 = arith.constant 0 : index
    %get3A_16 = arith.constant 0 : index
    %get3A_17 = arith.constant 0 : index
    %get3A_18 = vector.load %arg1[%get3A_15, %get3A_16, %get3A_17] : memref<2x1000x128xf32, #tpu.memory_space<vmem>>, vector<1x1000x128xf32>
    %get3A_19 = vector.shape_cast %get3A_18 : vector<1x1000x128xf32> to vector<1000x128xf32>
    %get3A_20 = arith.constant 0 : index
    %get3A_21 = arith.constant 0 : index
    %get3A_22 = arith.constant 0 : index
    %get3A_23 = vector.load %arg2[%get3A_20, %get3A_21, %get3A_22] : memref<2x1000x128xf32, #tpu.memory_space<vmem>>, vector<1x1000x128xf32>
    %get3A_24 = vector.shape_cast %get3A_23 : vector<1x1000x128xf32> to vector<1000x128xf32>
    %add3A_25 = arith.addf %get3A_19, %get3A_24 : vector<1000x128xf32>
    %mul3A_26 = vector.broadcast %mul3A_14 : vector<1000x1xf32> to vector<1000x128xf32>
    %mul3A_27 = arith.mulf %add3A_25, %mul3A_26 : vector<1000x128xf32>
    %get3A_28 = arith.constant 1 : index
    %get3A_29 = arith.constant 0 : index
    %get3A_30 = arith.constant 0 : index
    %get3A_31 = vector.load %arg1[%get3A_28, %get3A_29, %get3A_30] : memref<2x1000x128xf32, #tpu.memory_space<vmem>>, vector<1x1000x128xf32>
    %get3A_32 = vector.shape_cast %get3A_31 : vector<1x1000x128xf32> to vector<1000x128xf32>
    %get3A_33 = arith.constant 1 : index
    %get3A_34 = arith.constant 0 : index
    %get3A_35 = arith.constant 0 : index
    %get3A_36 = vector.load %arg2[%get3A_33, %get3A_34, %get3A_35] : memref<2x1000x128xf32, #tpu.memory_space<vmem>>, vector<1x1000x128xf32>
    %get3A_37 = vector.shape_cast %get3A_36 : vector<1x1000x128xf32> to vector<1000x128xf32>
    %add3A_38 = arith.addf %get3A_32, %get3A_37 : vector<1000x128xf32>
    %mul3A_39 = vector.broadcast %mul3A_14 : vector<1000x1xf32> to vector<1000x128xf32>
    %mul3A_40 = arith.mulf %add3A_38, %mul3A_39 : vector<1000x128xf32>
    %concatenate3A = tpu.concatenate %mul3A_27, %mul3A_40 in 1 : vector<1000x128xf32>, vector<1000x128xf32> -> vector<1000x256xf32>
    %get3A_41 = arith.constant 0 : index
    %get3A_42 = arith.constant 0 : index
    %get3A_43 = vector.load %arg4[%get3A_41, %get3A_42] : memref<1x256xf32, #tpu.memory_space<vmem>>, vector<1x256xf32>
    %add3A_44 = vector.broadcast %get3A_43 : vector<1x256xf32> to vector<1000x256xf32>
    %add3A_45 = arith.addf %concatenate3A, %add3A_44 : vector<1000x256xf32>
    %max3A = arith.constant 0.000000e+00 : f32
    %max3A_46 = vector.broadcast %max3A : f32 to vector<1000x256xf32>
    %max3A_47 = arith.maximumf %add3A_45, %max3A_46 : vector<1000x256xf32>
    %get3A_48 = arith.constant 0 : index
    %get3A_49 = arith.constant 0 : index
    %get3A_50 = vector.load %arg5[%get3A_48, %get3A_49] : memref<256x256xf32, #tpu.memory_space<vmem>>, vector<256x256xf32>
    %convert_element_type3A = arith.truncf %max3A_47 : vector<1000x256xf32> to vector<1000x256xbf16>
    %convert_element_type3A_51 = arith.truncf %get3A_50 : vector<256x256xf32> to vector<256x256xbf16>
    %dot_general3A = arith.constant dense<0.000000e+00> : vector<1000x256xf32>
    %dot_general3A_52 = tpu.matmul %convert_element_type3A, %convert_element_type3A_51, %dot_general3A {dimension_numbers = #tpu.dot_dimension_numbers<[1], [0], [0], [1], [0, 0, 1, 1], [], []>, transpose_lhs_hint = false} : vector<1000x256xbf16>, vector<256x256xbf16>, vector<1000x256xf32> -> vector<1000x256xf32>
    %mul3A_53 = vector.broadcast %mul3A_14 : vector<1000x1xf32> to vector<1000x256xf32>
    %mul3A_54 = arith.mulf %dot_general3A_52, %mul3A_53 : vector<1000x256xf32>
    %slice3A_55 = vector.extract_strided_slice %mul3A_54 {offsets = [0, 0], sizes = [1000, 128], strides = [1, 1]} : vector<1000x256xf32> to vector<1000x128xf32>
    %swap3A = arith.constant 0 : index
    %swap3A_56 = arith.constant 0 : index
    %swap3A_57 = arith.constant 0 : index
    %swap3A_58 = vector.load %arg6[%swap3A, %swap3A_56, %swap3A_57] : memref<2x1000x128xf32, #tpu.memory_space<vmem>>, vector<1x1000x128xf32>
    %swap3A_59 = vector.shape_cast %swap3A_58 : vector<1x1000x128xf32> to vector<1000x128xf32>
    %swap3A_60 = vector.shape_cast %slice3A_55 : vector<1000x128xf32> to vector<1x1000x128xf32>
    tpu.vector_store %arg6[%swap3A, %swap3A_56, %swap3A_57], %swap3A_60 {strides = array<i32>} : memref<2x1000x128xf32, #tpu.memory_space<vmem>>, vector<1x1000x128xf32>,
    %slice3A_61 = vector.extract_strided_slice %mul3A_54 {offsets = [0, 128], sizes = [1000, 128], strides = [1, 1]} : vector<1000x256xf32> to vector<1000x128xf32>
    %swap3A_62 = arith.constant 1 : index
    %swap3A_63 = arith.constant 0 : index
    %swap3A_64 = arith.constant 0 : index
    %swap3A_65 = vector.load %arg6[%swap3A_62, %swap3A_63, %swap3A_64] : memref<2x1000x128xf32, #tpu.memory_space<vmem>>, vector<1x1000x128xf32>
    %swap3A_66 = vector.shape_cast %swap3A_65 : vector<1x1000x128xf32> to vector<1000x128xf32>
    %swap3A_67 = vector.shape_cast %slice3A_61 : vector<1000x128xf32> to vector<1x1000x128xf32>
    tpu.vector_store %arg6[%swap3A_62, %swap3A_63, %swap3A_64], %swap3A_67 {strides = array<i32>} : memref<2x1000x128xf32, #tpu.memory_space<vmem>>, vector<1x1000x128xf32>,
    return
  }
  func.func @transform_0(%arg0: i32) -> (i32, i32, i32) {
    %c0_i32 = arith.constant 0 : i32
    %c0_i32_0 = arith.constant 0 : i32
    %c0_i32_1 = arith.constant 0 : i32
    return %c0_i32, %arg0, %c0_i32_0 : i32, i32, i32
  }
  func.func @transform_1(%arg0: i32) -> (i32, i32, i32) {
    %c0_i32 = arith.constant 0 : i32
    %c0_i32_0 = arith.constant 0 : i32
    %c0_i32_1 = arith.constant 0 : i32
    return %c0_i32, %arg0, %c0_i32_0 : i32, i32, i32
  }
  func.func @transform_2(%arg0: i32) -> (i32, i32, i32) {
    %c0_i32 = arith.constant 0 : i32
    %c0_i32_0 = arith.constant 0 : i32
    %c0_i32_1 = arith.constant 0 : i32
    return %c0_i32, %arg0, %c0_i32_0 : i32, i32, i32
  }
  func.func @transform_3(%arg0: i32) -> (i32, i32) {
    %c0_i32 = arith.constant 0 : i32
    %c0_i32_0 = arith.constant 0 : i32
    %c0_i32_1 = arith.constant 0 : i32
    return %c0_i32, %c0_i32_0 : i32, i32
  }
  func.func @transform_4(%arg0: i32) -> (i32, i32) {
    %c0_i32 = arith.constant 0 : i32
    %c0_i32_0 = arith.constant 0 : i32
    %c0_i32_1 = arith.constant 0 : i32
    return %c0_i32, %c0_i32_0 : i32, i32
  }
  func.func @transform_5(%arg0: i32) -> (i32, i32, i32) {
    %c0_i32 = arith.constant 0 : i32
    %c0_i32_0 = arith.constant 0 : i32
    %c0_i32_1 = arith.constant 0 : i32
    return %c0_i32, %arg0, %c0_i32_0 : i32, i32, i32
  }
}

module attributes {stable_mosaic.version = 14 : i64} {
  func.func @_head_body(%arg0: i32, %arg1: memref<2x10000x128xf32, #tpu.memory_space<vmem>>, %arg2: memref<2x10000x128xf32, #tpu.memory_space<vmem>>, %arg3: memref<2x10000x128xf32, #tpu.memory_space<vmem>>, %arg4: memref<1x256xf32, #tpu.memory_space<vmem>>, %arg5: memref<1x10000xf32, #tpu.memory_space<vmem>>, %arg6: memref<256x256xf32, #tpu.memory_space<vmem>>, %arg7: memref<1x256xf32, #tpu.memory_space<vmem>>, %arg8: memref<256x128xf32, #tpu.memory_space<vmem>>, %arg9: memref<1x128xf32, #tpu.memory_space<vmem>>, %arg10: memref<64x128xf32, #tpu.memory_space<vmem>>) attributes {dimension_semantics = [#tpu.dimension_semantics<arbitrary>], iteration_bounds = array<i64: 1>, scalar_prefetch = 0 : i64, scratch_operands = 0 : i64, tpu.core_type = #tpu.core_type<tc>, window_params = [{pipeline_mode = #tpu.pipeline_mode<synchronous>, transform_indices = @transform_0, window_bounds = array<i64: 2, 10000, 128>}, {pipeline_mode = #tpu.pipeline_mode<synchronous>, transform_indices = @transform_1, window_bounds = array<i64: 2, 10000, 128>}, {pipeline_mode = #tpu.pipeline_mode<synchronous>, transform_indices = @transform_2, window_bounds = array<i64: 2, 10000, 128>}, {pipeline_mode = #tpu.pipeline_mode<synchronous>, transform_indices = @transform_3, window_bounds = array<i64: 1, 256>}, {pipeline_mode = #tpu.pipeline_mode<synchronous>, transform_indices = @transform_4, window_bounds = array<i64: 1, 10000>}, {pipeline_mode = #tpu.pipeline_mode<synchronous>, transform_indices = @transform_5, window_bounds = array<i64: 256, 256>}, {pipeline_mode = #tpu.pipeline_mode<synchronous>, transform_indices = @transform_6, window_bounds = array<i64: 1, 256>}, {pipeline_mode = #tpu.pipeline_mode<synchronous>, transform_indices = @transform_7, window_bounds = array<i64: 256, 128>}, {pipeline_mode = #tpu.pipeline_mode<synchronous>, transform_indices = @transform_8, window_bounds = array<i64: 1, 128>}, {pipeline_mode = #tpu.pipeline_mode<synchronous>, transform_indices = @transform_9, window_bounds = array<i64: 64, 128>}]} {
    %get3A = arith.constant 0 : index
    %get3A_0 = arith.constant 0 : index
    %get3A_1 = arith.constant 0 : index
    %get3A_2 = vector.load %arg3[%get3A, %get3A_0, %get3A_1] : memref<2x10000x128xf32, #tpu.memory_space<vmem>>, vector<2x10000x128xf32>
    %slice3A = vector.extract_strided_slice %get3A_2 {offsets = [0, 0, 0], sizes = [1, 10000, 1], strides = [1, 1, 1]} : vector<2x10000x128xf32> to vector<1x10000x1xf32>
    %squeeze3A = vector.shape_cast %slice3A : vector<1x10000x1xf32> to vector<10000x1xf32>
    %add3A = arith.constant 1.000000e+00 : f32
    %add3A_3 = vector.broadcast %add3A : f32 to vector<10000x1xf32>
    %add3A_4 = arith.addf %add3A_3, %squeeze3A : vector<10000x1xf32>
    %slice3A_5 = vector.extract_strided_slice %get3A_2 {offsets = [1, 0, 0], sizes = [1, 10000, 1], strides = [1, 1, 1]} : vector<2x10000x128xf32> to vector<1x10000x1xf32>
    %squeeze3A_6 = vector.shape_cast %slice3A_5 : vector<1x10000x1xf32> to vector<10000x1xf32>
    %add3A_7 = arith.addf %add3A_4, %squeeze3A_6 : vector<10000x1xf32>
    %rsqrt3A = math.rsqrt %add3A_7 : vector<10000x1xf32>
    %mul3A = arith.constant 5.000000e-01 : f32
    %mul3A_8 = vector.broadcast %mul3A : f32 to vector<10000x1xf32>
    %mul3A_9 = arith.mulf %mul3A_8, %add3A_7 : vector<10000x1xf32>
    %mul3A_10 = arith.mulf %mul3A_9, %rsqrt3A : vector<10000x1xf32>
    %mul3A_11 = arith.mulf %mul3A_10, %rsqrt3A : vector<10000x1xf32>
    %sub3A = arith.constant 1.500000e+00 : f32
    %sub3A_12 = vector.broadcast %sub3A : f32 to vector<10000x1xf32>
    %sub3A_13 = arith.subf %sub3A_12, %mul3A_11 : vector<10000x1xf32>
    %mul3A_14 = arith.mulf %rsqrt3A, %sub3A_13 : vector<10000x1xf32>
    %get3A_15 = arith.constant 0 : index
    %get3A_16 = arith.constant 0 : index
    %get3A_17 = arith.constant 0 : index
    %get3A_18 = vector.load %arg1[%get3A_15, %get3A_16, %get3A_17] : memref<2x10000x128xf32, #tpu.memory_space<vmem>>, vector<1x10000x128xf32>
    %get3A_19 = vector.shape_cast %get3A_18 : vector<1x10000x128xf32> to vector<10000x128xf32>
    %get3A_20 = arith.constant 0 : index
    %get3A_21 = arith.constant 0 : index
    %get3A_22 = arith.constant 0 : index
    %get3A_23 = vector.load %arg2[%get3A_20, %get3A_21, %get3A_22] : memref<2x10000x128xf32, #tpu.memory_space<vmem>>, vector<1x10000x128xf32>
    %get3A_24 = vector.shape_cast %get3A_23 : vector<1x10000x128xf32> to vector<10000x128xf32>
    %add3A_25 = arith.addf %get3A_19, %get3A_24 : vector<10000x128xf32>
    %mul3A_26 = vector.broadcast %mul3A_14 : vector<10000x1xf32> to vector<10000x128xf32>
    %mul3A_27 = arith.mulf %add3A_25, %mul3A_26 : vector<10000x128xf32>
    %get3A_28 = arith.constant 1 : index
    %get3A_29 = arith.constant 0 : index
    %get3A_30 = arith.constant 0 : index
    %get3A_31 = vector.load %arg1[%get3A_28, %get3A_29, %get3A_30] : memref<2x10000x128xf32, #tpu.memory_space<vmem>>, vector<1x10000x128xf32>
    %get3A_32 = vector.shape_cast %get3A_31 : vector<1x10000x128xf32> to vector<10000x128xf32>
    %get3A_33 = arith.constant 1 : index
    %get3A_34 = arith.constant 0 : index
    %get3A_35 = arith.constant 0 : index
    %get3A_36 = vector.load %arg2[%get3A_33, %get3A_34, %get3A_35] : memref<2x10000x128xf32, #tpu.memory_space<vmem>>, vector<1x10000x128xf32>
    %get3A_37 = vector.shape_cast %get3A_36 : vector<1x10000x128xf32> to vector<10000x128xf32>
    %add3A_38 = arith.addf %get3A_32, %get3A_37 : vector<10000x128xf32>
    %mul3A_39 = vector.broadcast %mul3A_14 : vector<10000x1xf32> to vector<10000x128xf32>
    %mul3A_40 = arith.mulf %add3A_38, %mul3A_39 : vector<10000x128xf32>
    %concatenate3A = tpu.concatenate %mul3A_27, %mul3A_40 in 1 : vector<10000x128xf32>, vector<10000x128xf32> -> vector<10000x256xf32>
    %get3A_41 = arith.constant 0 : index
    %get3A_42 = arith.constant 0 : index
    %get3A_43 = vector.load %arg4[%get3A_41, %get3A_42] : memref<1x256xf32, #tpu.memory_space<vmem>>, vector<1x256xf32>
    %add3A_44 = vector.broadcast %get3A_43 : vector<1x256xf32> to vector<10000x256xf32>
    %add3A_45 = arith.addf %concatenate3A, %add3A_44 : vector<10000x256xf32>
    %max3A = arith.constant 0.000000e+00 : f32
    %max3A_46 = vector.broadcast %max3A : f32 to vector<10000x256xf32>
    %max3A_47 = arith.maximumf %add3A_45, %max3A_46 : vector<10000x256xf32>
    %iota3A = tpu.iota {dimensions = array<i32: 0>} : vector<64x1xi32>
    %convert_element_type3A = arith.sitofp %iota3A : vector<64x1xi32> to vector<64x1xf32>
    %get3A_48 = arith.constant 0 : index
    %get3A_49 = arith.constant 0 : index
    %get3A_50 = vector.load %arg5[%get3A_48, %get3A_49] : memref<1x10000xf32, #tpu.memory_space<vmem>>, vector<1x10000xf32>
    %eq3A = vector.broadcast %convert_element_type3A : vector<64x1xf32> to vector<64x10000xf32>
    %eq3A_51 = vector.broadcast %get3A_50 : vector<1x10000xf32> to vector<64x10000xf32>
    %eq3A_52 = arith.cmpf oeq, %eq3A, %eq3A_51 : vector<64x10000xf32>
    %convert_element_type3A_53 = arith.extui %eq3A_52 : vector<64x10000xi1> to vector<64x10000xi32>
    %convert_element_type3A_54 = arith.sitofp %convert_element_type3A_53 : vector<64x10000xi32> to vector<64x10000xf32>
    %dot_general3A = arith.constant dense<0.000000e+00> : vector<64x256xf32>
    %dot_general3A_55 = tpu.matmul %convert_element_type3A_54, %max3A_47, %dot_general3A {dimension_numbers = #tpu.dot_dimension_numbers<[1], [0], [0], [1], [0, 0, 1, 1], [], []>, precision = #tpu.contract_precision<fp32>, transpose_lhs_hint = false} : vector<64x10000xf32>, vector<10000x256xf32>, vector<64x256xf32> -> vector<64x256xf32>
    %reduce_sum3A = arith.constant dense<0.000000e+00> : vector<64xf32>
    %reduce_sum3A_56 = vector.multi_reduction <add>, %convert_element_type3A_54, %reduce_sum3A [1] : vector<64x10000xf32> to vector<64xf32>
    %broadcast_in_dim3A = vector.shape_cast %reduce_sum3A_56 : vector<64xf32> to vector<64x1xf32>
    %max3A_57 = arith.constant 1.000000e+00 : f32
    %max3A_58 = vector.broadcast %max3A_57 : f32 to vector<64x1xf32>
    %max3A_59 = arith.maximumf %broadcast_in_dim3A, %max3A_58 : vector<64x1xf32>
    %div3A = vector.broadcast %max3A_59 : vector<64x1xf32> to vector<64x256xf32>
    %div3A_60 = arith.divf %dot_general3A_55, %div3A : vector<64x256xf32>
    %get3A_61 = arith.constant 0 : index
    %get3A_62 = arith.constant 0 : index
    %get3A_63 = vector.load %arg6[%get3A_61, %get3A_62] : memref<256x256xf32, #tpu.memory_space<vmem>>, vector<256x256xf32>
    %convert_element_type3A_64 = arith.truncf %div3A_60 : vector<64x256xf32> to vector<64x256xbf16>
    %convert_element_type3A_65 = arith.truncf %get3A_63 : vector<256x256xf32> to vector<256x256xbf16>
    %dot_general3A_66 = arith.constant dense<0.000000e+00> : vector<64x256xf32>
    %dot_general3A_67 = tpu.matmul %convert_element_type3A_64, %convert_element_type3A_65, %dot_general3A_66 {dimension_numbers = #tpu.dot_dimension_numbers<[1], [0], [0], [1], [0, 0, 1, 1], [], []>, transpose_lhs_hint = false} : vector<64x256xbf16>, vector<256x256xbf16>, vector<64x256xf32> -> vector<64x256xf32>
    %get3A_68 = arith.constant 0 : index
    %get3A_69 = arith.constant 0 : index
    %get3A_70 = vector.load %arg7[%get3A_68, %get3A_69] : memref<1x256xf32, #tpu.memory_space<vmem>>, vector<1x256xf32>
    %add3A_71 = vector.broadcast %get3A_70 : vector<1x256xf32> to vector<64x256xf32>
    %add3A_72 = arith.addf %dot_general3A_67, %add3A_71 : vector<64x256xf32>
    %max3A_73 = arith.constant 0.000000e+00 : f32
    %max3A_74 = vector.broadcast %max3A_73 : f32 to vector<64x256xf32>
    %max3A_75 = arith.maximumf %add3A_72, %max3A_74 : vector<64x256xf32>
    %get3A_76 = arith.constant 0 : index
    %get3A_77 = arith.constant 0 : index
    %get3A_78 = vector.load %arg8[%get3A_76, %get3A_77] : memref<256x128xf32, #tpu.memory_space<vmem>>, vector<256x128xf32>
    %convert_element_type3A_79 = arith.truncf %max3A_75 : vector<64x256xf32> to vector<64x256xbf16>
    %convert_element_type3A_80 = arith.truncf %get3A_78 : vector<256x128xf32> to vector<256x128xbf16>
    %dot_general3A_81 = arith.constant dense<0.000000e+00> : vector<64x128xf32>
    %dot_general3A_82 = tpu.matmul %convert_element_type3A_79, %convert_element_type3A_80, %dot_general3A_81 {dimension_numbers = #tpu.dot_dimension_numbers<[1], [0], [0], [1], [0, 0, 1, 1], [], []>, transpose_lhs_hint = false} : vector<64x256xbf16>, vector<256x128xbf16>, vector<64x128xf32> -> vector<64x128xf32>
    %get3A_83 = arith.constant 0 : index
    %get3A_84 = arith.constant 0 : index
    %get3A_85 = vector.load %arg9[%get3A_83, %get3A_84] : memref<1x128xf32, #tpu.memory_space<vmem>>, vector<1x128xf32>
    %add3A_86 = vector.broadcast %get3A_85 : vector<1x128xf32> to vector<64x128xf32>
    %add3A_87 = arith.addf %dot_general3A_82, %add3A_86 : vector<64x128xf32>
    %swap3A = arith.constant 0 : index
    %swap3A_88 = arith.constant 0 : index
    %swap3A_89 = vector.load %arg10[%swap3A, %swap3A_88] : memref<64x128xf32, #tpu.memory_space<vmem>>, vector<64x128xf32>
    tpu.vector_store %arg10[%swap3A, %swap3A_88], %add3A_87 {strides = array<i32>} : memref<64x128xf32, #tpu.memory_space<vmem>>, vector<64x128xf32>,
    return
  }
  func.func @transform_0(%arg0: i32) -> (i32, i32, i32) {
    %c0_i32 = arith.constant 0 : i32
    %c0_i32_0 = arith.constant 0 : i32
    %c0_i32_1 = arith.constant 0 : i32
    %c0_i32_2 = arith.constant 0 : i32
    return %c0_i32, %c0_i32_0, %c0_i32_1 : i32, i32, i32
  }
  func.func @transform_1(%arg0: i32) -> (i32, i32, i32) {
    %c0_i32 = arith.constant 0 : i32
    %c0_i32_0 = arith.constant 0 : i32
    %c0_i32_1 = arith.constant 0 : i32
    %c0_i32_2 = arith.constant 0 : i32
    return %c0_i32, %c0_i32_0, %c0_i32_1 : i32, i32, i32
  }
  func.func @transform_2(%arg0: i32) -> (i32, i32, i32) {
    %c0_i32 = arith.constant 0 : i32
    %c0_i32_0 = arith.constant 0 : i32
    %c0_i32_1 = arith.constant 0 : i32
    %c0_i32_2 = arith.constant 0 : i32
    return %c0_i32, %c0_i32_0, %c0_i32_1 : i32, i32, i32
  }
  func.func @transform_3(%arg0: i32) -> (i32, i32) {
    %c0_i32 = arith.constant 0 : i32
    %c0_i32_0 = arith.constant 0 : i32
    %c0_i32_1 = arith.constant 0 : i32
    return %c0_i32, %c0_i32_0 : i32, i32
  }
  func.func @transform_4(%arg0: i32) -> (i32, i32) {
    %c0_i32 = arith.constant 0 : i32
    %c0_i32_0 = arith.constant 0 : i32
    %c0_i32_1 = arith.constant 0 : i32
    return %c0_i32, %c0_i32_0 : i32, i32
  }
  func.func @transform_5(%arg0: i32) -> (i32, i32) {
    %c0_i32 = arith.constant 0 : i32
    %c0_i32_0 = arith.constant 0 : i32
    %c0_i32_1 = arith.constant 0 : i32
    return %c0_i32, %c0_i32_0 : i32, i32
  }
  func.func @transform_6(%arg0: i32) -> (i32, i32) {
    %c0_i32 = arith.constant 0 : i32
    %c0_i32_0 = arith.constant 0 : i32
    %c0_i32_1 = arith.constant 0 : i32
    return %c0_i32, %c0_i32_0 : i32, i32
  }
  func.func @transform_7(%arg0: i32) -> (i32, i32) {
    %c0_i32 = arith.constant 0 : i32
    %c0_i32_0 = arith.constant 0 : i32
    %c0_i32_1 = arith.constant 0 : i32
    return %c0_i32, %c0_i32_0 : i32, i32
  }
  func.func @transform_8(%arg0: i32) -> (i32, i32) {
    %c0_i32 = arith.constant 0 : i32
    %c0_i32_0 = arith.constant 0 : i32
    %c0_i32_1 = arith.constant 0 : i32
    return %c0_i32, %c0_i32_0 : i32, i32
  }
  func.func @transform_9(%arg0: i32) -> (i32, i32) {
    %c0_i32 = arith.constant 0 : i32
    %c0_i32_0 = arith.constant 0 : i32
    %c0_i32_1 = arith.constant 0 : i32
    return %c0_i32, %c0_i32_0 : i32, i32
  }
}

</mosaic_0001>

<sc_bundles>
// kernel: kernel.11.cloned.1.call-start
scs
__scs_entry_jumppad:
0x0: {  	(pc) =	sbr.rel $0x88, $3  }
0x1: {  	(tag) =	ssettag $0x0;
	lr =	simm.s32 $0x1  }
0x2: {  	[smem:$0x3F92] =	sst lr;
	_ =	strace $0xD0000000  }
0x3: {  	_ = 	snop  }
0x4: {  	_ = 	snop  }
0x5: {  	_ = 	snop  }
0x6: {  	_ = 	snop  }
0x7: {  	_ = 	snop  }
__scs_overlays_trampoline_lowered:
0x8: {  	[smem:$0x3FA1] =	sst s0  }
0x9: {  	[smem:$0x3FA2] =	sst s1  }
0xa: {  	[smem:$0x3FA3] =	sst s2  }
0xb: {  	[smem:$0x3FA4] =	sst s3  }
0xc: {  	[smem:$0x3FA5] =	sst s4  }
0xd: {  	[smem:$0x3FA6] =	sst s5  }
0xe: {  	[smem:$0x3FA7] =	sst s6  }
0xf: {  	[smem:$0x3FA8] =	sst s7  }
0x10: {  	[smem:$0x3FA9] =	sst s8  }
0x11: {  	[smem:$0x3FAA] =	sst s9;
	s0 =	simm.s32 @!p0 $0x0  }
0x12: {  	s1 =	sld [smem:$0x3F90];
	s0 =	simm.s32 @p0 $0x1  }
0x13: {  	[smem:$0x3FAB] =	sst s0;
	s0 =	simm.s32 @!p1 $0x0  }
0x14: {  	s2 =	sld [smem:$0x3F8F];
	s0 =	simm.s32 @p1 $0x1  }
0x15: {  	[smem:$0x3FAC] =	sst s0;
	s0 =	simm.s32 @!p2 $0x0  }
0x16: {  	s3 =	sld [smem:$0x3FDB];
	s0 =	simm.s32 @p2 $0x1  }
0x17: {  	s4 =	simm.s32 $0x1BF5;
	[smem:$0x3FAE] =	sst s0  }
0x18: {  	s0 =	sld [smem:$0x3F91];
	_ =	swait.ge [sflag:s4], $0x0  }
0x19: {  	s7 =	sld [smem:$0x3F92]  }
0x1a: {  	s8 =	sadd.s32 $0xFFFFE003, lr  }
0x1b: {  	s9 =	sadd.s32 $0xFFFFFEF7, lr;
	s5 =	simm.s32 $0xFFFFFFFF;
	p2 =	slt.u32 s8, $0xFFFFF086  }
0x1c: {  	p1 =	slt.u32 s9, $0xF7A;
	s5 =	simm.s32 @!p2 $0x0  }
0x1d: {  	s5 =	simm.s32 @p1 $0x1;
	p0 =	seq.s32 s7, s2  }
0x1e: {  	s7 =	smul.u32 @!p0 $0xF7A, s2;
	p2 =	seq.s32 @!p0 s5, $0x0  }
0x1f: {  	s9 =	smul.u32 $0xF7A, s1;
	s8 =	simm.s32 @!p0 $0x1BF5;
	p2 =	por !p2, p0  }
0x20: {  	[sflag:s8] =	ssyncset.s32 @!p0 $0xFFFFF086;
	s6 =	sadd.s32 @!p0 s3, s7;
	s7 =	simm.s32 @!p0 $0x108  }
0x21: {  	s3 =	sadd.s32 s3, s9;
	s6 =	sadd.s32 @!p0 $0x88, s6;
	s7 =	simm.s32 @p2 $0x1082  }
0x22: {  	[simem:s7], [sflag:s8] =	dma.local @!p0 [hbm:s6], $0xF7A  }
0x23: {  	s9 =	sor.u32 $0xD0000000, s2;
	s6 =	simm.s32 $0x108;
	_ =	swait.ge @!p0 [sflag:s8], $0x0  }
0x24: {  	s3 =	sadd.s32 $0x88, s3;
	s6 =	simm.s32 @!p1 $0x1082;
	[sflag:s4] =	ssyncset.s32 $0xFFFFF086  }
0x25: {  	[simem:s6], [sflag:s4] =	dma.local [hbm:s3], $0xF7A  }
0x26: {  	[smem:$0x3F92] =	sst s1;
	(tag) =	ssettag s2;
	_ =	strace s9  }
0x27: {  	s1 =	sld [smem:$0x3FA2]  }
0x28: {  	s2 =	sld [smem:$0x3FA3]  }
0x29: {  	s4 =	sld [smem:$0x3FA5]  }
0x2a: {  	p0 =	seq.s32 s5, $0x0;
	s5 =	sld [smem:$0x3FA6]  }
0x2b: {  	s6 =	sld [smem:$0x3FA7]  }
0x2c: {  	s7 =	sld [smem:$0x3FA8]  }
0x2d: {  	s3 =	simm.s32 $0x108;
	s8 =	sld [smem:$0x3FA9]  }
0x2e: {  	s3 =	simm.s32 @!p0 $0x1082;
	s9 =	sld [smem:$0x3FAA]  }
0x2f: {  	lr =	sadd.s32 s0, s3;
	s0 =	sld [smem:$0x3FA1]  }
0x30: {  	s3 =	sld [smem:$0x3FA4]  }
0x31: {  	[smem:$0x3FAD] =	sst s10  }
0x32: {  	s10 =	sld [smem:$0x3FAB];
	_ =	sdelay $0x3  }
0x33: {  	p0 =	seq.s32 s10, $0x1;
	s10 =	sld [smem:$0x3FAD];
	_ =	sdelay $0x3  }
0x34: {  	[smem:$0x3FAD] =	sst s10  }
0x35: {  	s10 =	sld [smem:$0x3FAC];
	_ =	sdelay $0x3  }
0x36: {  	p1 =	seq.s32 s10, $0x1;
	s10 =	sld [smem:$0x3FAD];
	_ =	sdelay $0x3  }
0x37: {  	[smem:$0x3FAD] =	sst s10  }
0x38: {  	s10 =	sld [smem:$0x3FAE]  }
0x39: {  	_ = 	snop;
	(pc) =	sbr.ind lr, $3  }
0x3a: {  	_ = 	snop  }
0x3b: {  	_ = 	snop  }
0x3c: {  	p2 =	seq.s32 s10, $0x1;
	s10 =	sld [smem:$0x3FAD]  }
0x3d: {  	_ =	shalt  }
0x3e: {  	_ =	shalt  }
0x3f: {  	_ =	shalt  }
0x40: {  	_ =	shalt  }
0x41: {  	_ =	shalt  }
0x42: {  	_ =	shalt  }
0x43: {  	_ =	shalt  }
0x44: {  	_ =	shalt  }
0x45: {  	_ =	shalt  }
0x46: {  	_ =	shalt  }
0x47: {  	_ =	shalt  }
0x48: {  	_ =	shalt  }
0x49: {  	_ =	shalt  }
0x4a: {  	_ =	shalt  }
0x4b: {  	_ =	shalt  }
0x4c: {  	_ =	shalt  }
0x4d: {  	_ =	shalt  }
0x4e: {  	_ =	shalt  }
0x4f: {  	_ =	shalt  }
0x50: {  	_ =	shalt  }
0x51: {  	_ =	shalt  }
0x52: {  	_ =	shalt  }
0x53: {  	_ =	shalt  }
0x54: {  	_ =	shalt  }
0x55: {  	_ =	shalt  }
0x56: {  	_ =	shalt  }
0x57: {  	_ =	shalt  }
0x58: {  	_ =	shalt  }
0x59: {  	_ =	shalt  }
0x5a: {  	_ =	shalt  }
0x5b: {  	_ =	shalt  }
0x5c: {  	_ =	shalt  }
0x5d: {  	_ =	shalt  }
0x5e: {  	_ =	shalt  }
0x5f: {  	_ =	shalt  }
0x60: {  	_ =	shalt  }
0x61: {  	_ =	shalt  }
0x62: {  	_ =	shalt  }
0x63: {  	_ =	shalt  }
0x64: {  	_ =	shalt  }
0x65: {  	_ =	shalt  }
0x66: {  	_ =	shalt  }
0x67: {  	_ =	shalt  }
0x68: {  	_ =	shalt  }
0x69: {  	_ =	shalt  }
0x6a: {  	_ =	shalt  }
0x6b: {  	_ =	shalt  }
0x6c: {  	_ =	shalt  }
0x6d: {  	_ =	shalt  }
0x6e: {  	_ =	shalt  }
0x6f: {  	_ =	shalt  }
0x70: {  	_ =	shalt  }
0x71: {  	_ =	shalt  }
0x72: {  	_ =	shalt  }
0x73: {  	_ =	shalt  }
0x74: {  	_ =	shalt  }
0x75: {  	_ =	shalt  }
0x76: {  	_ =	shalt  }
0x77: {  	_ =	shalt  }
0x78: {  	_ =	shalt  }
0x79: {  	_ =	shalt  }
0x7a: {  	_ =	shalt  }
0x7b: {  	_ =	shalt  }
0x7c: {  	_ =	shalt  }
0x7d: {  	_ =	shalt  }
0x7e: {  	_ =	shalt  }
0x7f: {  	_ =	shalt  }
0x80: {  	_ =	shalt  }
0x81: {  	_ =	shalt  }
0x82: {  	_ =	shalt  }
0x83: {  	_ =	shalt  }
0x84: {  	_ =	shalt  }
0x85: {  	_ =	shalt  }
0x86: {  	_ =	shalt  }
0x87: {  	_ =	shalt  }
.Lfunc_end0:
.L_simem_size_0:
called_computation_lowered:
.L_overlay_start_0:
0x88: {  	s2 =	sld [smem:$0x3FD9]  }
0x89: {  	s3 =	sld [smem:$0x3FFE];
	_ =	sdelay $0x1  }
0x8a: {  	s1 =	srdreg.scid  }
0x8b: {  	s0 =	sand.u32 $0x1, s1  }
0x8c: {  	s16 =	sshll.u32 s0, $0xA;
	s2 =	sadd.s32 s3, s2  }
0x8d: {  	s2 =	sadd.s32 s2, s16  }
0x8e: {  	[smem:$0x3FB9] =	sst s2  }
0x8f: {  	_ = 	snop  }
0x90: {  	(tm) =	ssettm $0x1  }
0x91: {  	s17 =	sld [smem:$0x3FFB];
	_ =	sdelay $0x3  }
0x92: {  	_ =	strace s17  }
0x93: {  	s2 =	sld [smem:$0x3FFC];
	_ =	sdelay $0x3  }
0x94: {  	_ =	strace s2  }
0x95: {  	s2 =	sld [smem:$0x3FFD];
	_ =	sdelay $0x3  }
0x96: {  	_ =	strace s2  }
0x97: {  	_ =	strace $0x8FFFFFFF  }
0x98: {  	s18 =	sld [smem:$0x3FDB];
	_ =	sdelay $0x1  }
0x99: {  	s19 =	simm.s32 $_scs_section_size  }
0x9a: {  	s4 =	simm.s32 $_size__tile_overlayer_lowered;
	s5 =	simm.s32 $_tile_overlayer_lowered  }
0x9b: {  	s22 =	simm.s32 $0x1BFF;
	s21 =	sshll.u32 s5, $0x1;
	s2 =	sadd.s32 s19, s18  }
0x9c: {  	s6 =	simm.s32 $0x0;
	s20 =	sshll.u32 s4, $0x1;
	s4 =	sadd.s32 s21, s2  }
0x9d: {  	[timem:s6], [sflag:s22] =	dma.local [hbm:s4], s20  }
0x9e: {  	_ =	swait.ge [sflag:s22], s20  }
0x9f: {  	s3 =	ssub.s32 $0x0, s20;
	[sflag:s22] =	ssyncset.done $0x0  }
0xa0: {  	[sflag:s22] =	ssyncadd.s32 s3;
	_ =	sdelay $0x1  }
0xa1: {  	s23 =	simm.s32 $0x1B8B  }
0xa2: {  	_ =	swait.ge [sflag:s23], $0x1  }
0xa3: {  	[sflag:s23] =	ssyncset.done $0x0  }
0xa4: {  	s25 =	simm.s32 $0x1B8E;
	s24 =	sld [smem:$0x3FFE];
	[sflag:s23] =	ssyncadd.s32 $0xFFFFFFFF  }
0xa5: {  	s26 =	simm.s32 $execute0_lowered;
	[smem:$0x3FD2] =	sst s25  }
0xa6: {  	s4 =	sshll.u32 s26, $0x1;
	_ =	strace $0x80000046;
	[dreg:$0x1] =	wrdreg $0xFFFFFFFF  }
0xa7: {  	s28 =	simm.s32 $_size_execute0_lowered;
	s2 =	sadd.s32 s2, s4;
	[dreg:$0x0] =	wrdreg $0x0  }
0xa8: {  	s4 =	sshll.u32 s28, $0x1;
	[dreg:$0x2] =	wrdreg s2  }
0xa9: {  	[dreg:$0x3] =	wrdreg s4  }
0xaa: {  	[dreg:$0x4] =	wrdreg $0xC0  }
0xab: {  	_ =	task [dreg:s6], $0x5FFFF  }
0xac: {  	[dreg:$0x1] =	wrdreg $0xFFFFFFFF  }
0xad: {  	[dreg:$0x0] =	wrdreg $0x60  }
0xae: {  	[dreg:$0x2] =	wrdreg s24  }
0xaf: {  	[dreg:$0x3] =	wrdreg $0x68000  }
0xb0: {  	[dreg:$0x4] =	wrdreg $0x9  }
0xb1: {  	_ =	task.clear_ibuf [dreg:s6], $0x5FFFF;
	_ =	strace $0x90000046  }
0xb2: {  	s29 =	simm.s32 $0x9;
	_ =	strace $0x80000048  }
0xb3: {  	_ =	swait.ge [sflag:s29], $0x1  }
0xb4: {  	[sflag:s29] =	ssyncadd.s32 $0xFFFFFFFF  }
0xb5: {  	_ =	strace $0x90000048  }
0xb6: {  	_ =	sfence  }
0xb7: {  	s30 =	sld [smem:$0x0];
	_ =	sdelay $0x2  }
0xb8: {  	s31 =	sshll.u32 s1, $0xD;
	s1 =	sshrl.u32 s1, $0x2  }
0xb9: {  	s3 =	sand.u32 $0x4000, s31;
	s1 =	sadd.s32 s1, s30  }
0xba: {  	s0 =	sor.u32 s3, s0;
	s1 =	sshll.u32 s1, $0x11  }
0xbb: {  	s0 =	sor.u32 s1, s0  }
0xbc: {  	s0 =	sadd.s32 $0x8F2B, s0  }
0xbd: {  	[sflag:s0] =	ssyncadd.remote.s32 $0x1  }
0xbe: {  	_ =	sfence.sel $0xFFFF  }
0xbf: {  	[dreg:$0x0] =	wrdreg $0xFFFFFFFF;
	(pc) =	sbr.abs _section_cstart, $3  }
0xc0: {  	[dreg:$0x1] =	wrdreg $0xFFFFFFFF  }
0xc1: {  	_ =	task.clear_ibuf [dreg:s6], $0x2FFFF;
	_ =	strace $0x9FFFFFFF  }
0xc2: {  	(tm) =	ssettm $0x7FFFFFFF  }
0xc3: {  	_ =	shalt  }
tec
execute0_lowered:
.L_overlay_start_1:
0x0: {  	(tag) =	ssettag $0x1  }
0x1: {  	s0 =	srdreg.scid;
	s6 =	rddreg [dreg:$0x0]  }
0x2: {  	s2 =	rddreg [dreg:$0x1];
	s5 =	sand.u32 $0x1, s0;
	s0 =	stileid.u32  }
0x3: {  	s3 =	simm.s32 $0x0;
	s13 =	simm.s32 $0x80;
	s7 =	smul.u32 $0x13C00, s0  }
0x4: {  	s14 =	simm.s32 $0x0;
	[smem:$0x7FF] =	sst s3;
	s8 =	smul.u32 $0x13C000, s5  }
0x5: {  	s1 =	sshll.u32 s5, $0x4;
	s5 =	ssub.s32 $0x2, s5;
	s29 =	smul.u32 $0x4F000, s0  }
0x6: {  	s31 =	sshll.u32 s0, $0x6;
	s4 =	sor.u32 s0, s1;
	s1 =	rddreg [dreg:$0x2]  }
0x7: {  	_ =	strace $0x80000047;
	s11 =	sshrl.u32 s5, $0x1;
	s4 =	smul.u32 $0x500, s4  }
0x8: {  	s10 =	sshrl.u32 s7, $0x3;
	s7 =	sadd.s32 s7, s8;
	s11 =	ssub.s32 s5, s11  }
0x9: {  	s30 =	sshrl.u32 s29, $0x2;
	s10 =	sadd.s32 s10, s6;
	s7 =	sshrl.u32 s7, $0x3  }
0xa: {  	s12 =	sadd.s32 s30, s2;
	s8 =	smax.u32 s11, $0x1;
	s11 =	sor.u32 $0x1C01, s31  }
0xb: {  	s9 =	sadd.s32 s4, s6;
	s4 =	sadd.s32 $0x34400, s6;
	s7 =	sadd.s32 s7, s6  }
0xc: {  	s6 =	sadd.s32 $0xCC00, s10;
	s10 =	simm.s32 $0x2800;
	s12 =	sshrl.u32 s12, $0x3  }
0xd: {  	s5 =	sadd.s32 $0x2C00, s9;
	s7 =	sadd.s32 $0x34C00, s7;
	s9 =	simm.s32 $0x1  }
.LBB2_1:
0xe: {  	[tilespmem:s3], [sflag:$0x1] =	stream.linear.gather [hbm4b:s5+s3], $0x2780, $0x38;
	[tilespmem:$0x1A400] =	vst v63  }
0xf: {  	_ =	swait.ge [sflag:s9], $0x2780  }
0x10: {  	[sflag:s9] =	ssyncset.done $0x0  }
0x11: {  	[sflag:s9] =	ssyncadd.s32 $0xFFFFD880  }
0x12: {  	[tilespmem:s10], [sflag:$0x1] =	stream.linear.gather [hbm4b:s4+s3], $0x4000, $0x38;
	[tilespmem:$0x1A400] =	vst v63  }
0x13: {  	_ =	swait.ge [sflag:s9], $0x4000  }
0x14: {  	[sflag:s9] =	ssyncset.done $0x0  }
0x15: {  	[sflag:s9] =	ssyncadd.s32 $0xFFFFC000  }
0x16: {  	[spmem:s12], [sflag:s11] =	dma.local [hbm:s6], $0x2780  }
0x17: {  	_ =	swait.ge [sflag:s9], $0x2780  }
0x18: {  	[sflag:s9] =	ssyncset.done $0x0  }
0x19: {  	[sflag:s9] =	ssyncadd.s32 $0xFFFFD880  }
0x1a: {  	s15 =	simm.s32 $0x0;
	[bflag:$0x0] =	sbarrier.arrive $0xFFFF  }
0x1b: {  	[spmem:s2] =	stream.indirect.scatter.add.f32 [tilespmem:s10], [sflag:$0x1], $0x80, s15, s13, $0xb8;
	[tilespmem:$0x1A400] =	vst v63  }
0x1c: {  	_ =	swait.ge [sflag:s9], $0x4000  }
0x1d: {  	s15 =	simm.s32 $0x200;
	[sflag:s9] =	ssyncset.done $0x0  }
.LBB2_2:
0x1e: {  	s16 =	sshra.s32 s15, $0x2;
	[sflag:s9] =	ssyncadd.s32 $0xFFFFC000;
	p0 =	sne.s32 s15, $0x9C00  }
0x1f: {  	[spmem:s2] =	stream.indirect.scatter.add.f32 [tilespmem:s10], [sflag:$0x1], $0x80, s16, s13, $0xb8;
	[tilespmem:$0x1A400] =	vst v63  }
.Ltmp0:
0x20: {  	_ = 	snop;
	(pc) =	sbr.rel @p0 .LBB2_2-.Ltmp0, $4  }
0x21: {  	_ = 	snop  }
0x22: {  	s15 =	sadd.s32 $0x200, s15  }
0x23: {  	_ =	swait.ge [sflag:s9], $0x4000  }
0x24: {  	[sflag:s9] =	ssyncset.done $0x0  }
0x25: {  	s14 =	sadd.s32 $0x1, s14  }
0x26: {  	[sflag:s9] =	ssyncadd.s32 $0xFFFFC000;
	p0 =	sne.s32 s14, s8  }
.Ltmp1:
0x27: {  	[bflag:$0x0] =	sbarrier.arrive $0xFFFF;
	(pc) =	sbr.rel @p0 .LBB2_1-.Ltmp1, $4  }
0x28: {  	[hbm:s7], [sflag:s11] =	dma.local [spmem:s12], $0x2780  }
0x29: {  	_ =	swait.ge [sflag:s9], $0x2780  }
0x2a: {  	[sflag:s9] =	ssyncset.done $0x0  }
0x2b: {  	[sflag:s9] =	ssyncadd.s32 $0xFFFFD880  }
0x2c: {  	_ =	sfence.sel $0x180000  }
0x2d: {  	[bflag:$0x0] =	sbarrier.arrive $0xFFFF  }
0x2e: {  	p0 =	sne.s32 s0, $0x0;
	_ =	strace $0x90000047  }
0x2f: {  	s0 =	sadd.s32 @!p0 $0x100000, s1;
	[bflag:$0x2] =	sbarrier.arrive $0xFFFF  }
0x30: {  	[sflag:s0] =	ssyncadd.tile.s32 @!p0 $0x1;
	_ =	shalt  }
.Lfunc_end2:
_tile_overlayer_lowered:
.L_overlay_start_2:
0x31: {  	(tag) =	ssettag $0x2  }
0x32: {  	s0 =	rddreg [dreg:$0x0];
	s2 =	stileid.u32  }
0x33: {  	s1 =	rddreg [dreg:$0x1];
	p0 =	sne.s32 s2, $0x0  }
0x34: {  	s3 =	rddreg [dreg:$0x2];
	[bflag:$0x3] =	sbarrier.arrive $0xFFFF;
	s2 =	simm.s32 @!p0 $0x1C01  }
0x35: {  	[timem:s3], [sflag:s2] =	dma.local @!p0 [hbm:s0], s1  }
0x36: {  	s0 =	simm.s32 @!p0 $0x1  }
0x37: {  	_ =	swait.ge @!p0 [sflag:s0], s1  }
0x38: {  	s1 =	ssub.s32 @!p0 $0x0, s1;
	[sflag:s0] =	ssyncset.done @!p0 $0x0  }
0x39: {  	[sflag:s0] =	ssyncadd.s32 @!p0 s1  }
0x3a: {  	[bflag:$0x3] =	sbarrier.arrive $0xFFFF  }
0x3b: {  	_ =	shalt  }

// kernel: kernel.14.cloned.1.call-start
scs
__scs_entry_jumppad:
0x0: {  	(pc) =	sbr.rel $0x88, $3  }
0x1: {  	(tag) =	ssettag $0x0;
	lr =	simm.s32 $0x1  }
0x2: {  	[smem:$0x3F92] =	sst lr;
	_ =	strace $0xD0000000  }
0x3: {  	_ = 	snop  }
0x4: {  	_ = 	snop  }
0x5: {  	_ = 	snop  }
0x6: {  	_ = 	snop  }
0x7: {  	_ = 	snop  }
__scs_overlays_trampoline_lowered:
0x8: {  	[smem:$0x3FA1] =	sst s0  }
0x9: {  	[smem:$0x3FA2] =	sst s1  }
0xa: {  	[smem:$0x3FA3] =	sst s2  }
0xb: {  	[smem:$0x3FA4] =	sst s3  }
0xc: {  	[smem:$0x3FA5] =	sst s4  }
0xd: {  	[smem:$0x3FA6] =	sst s5  }
0xe: {  	[smem:$0x3FA7] =	sst s6  }
0xf: {  	[smem:$0x3FA8] =	sst s7  }
0x10: {  	[smem:$0x3FA9] =	sst s8  }
0x11: {  	[smem:$0x3FAA] =	sst s9;
	s0 =	simm.s32 @!p0 $0x0  }
0x12: {  	s1 =	sld [smem:$0x3F90];
	s0 =	simm.s32 @p0 $0x1  }
0x13: {  	[smem:$0x3FAB] =	sst s0;
	s0 =	simm.s32 @!p1 $0x0  }
0x14: {  	s2 =	sld [smem:$0x3F8F];
	s0 =	simm.s32 @p1 $0x1  }
0x15: {  	[smem:$0x3FAC] =	sst s0;
	s0 =	simm.s32 @!p2 $0x0  }
0x16: {  	s3 =	sld [smem:$0x3FDB];
	s0 =	simm.s32 @p2 $0x1  }
0x17: {  	s4 =	simm.s32 $0x1BF5;
	[smem:$0x3FAE] =	sst s0  }
0x18: {  	s0 =	sld [smem:$0x3F91];
	_ =	swait.ge [sflag:s4], $0x0  }
0x19: {  	s7 =	sld [smem:$0x3F92]  }
0x1a: {  	s8 =	sadd.s32 $0xFFFFE003, lr  }
0x1b: {  	s9 =	sadd.s32 $0xFFFFFEF7, lr;
	s5 =	simm.s32 $0xFFFFFFFF;
	p2 =	slt.u32 s8, $0xFFFFF086  }
0x1c: {  	p1 =	slt.u32 s9, $0xF7A;
	s5 =	simm.s32 @!p2 $0x0  }
0x1d: {  	s5 =	simm.s32 @p1 $0x1;
	p0 =	seq.s32 s7, s2  }
0x1e: {  	s7 =	smul.u32 @!p0 $0xF7A, s2;
	p2 =	seq.s32 @!p0 s5, $0x0  }
0x1f: {  	s9 =	smul.u32 $0xF7A, s1;
	s8 =	simm.s32 @!p0 $0x1BF5;
	p2 =	por !p2, p0  }
0x20: {  	[sflag:s8] =	ssyncset.s32 @!p0 $0xFFFFF086;
	s6 =	sadd.s32 @!p0 s3, s7;
	s7 =	simm.s32 @!p0 $0x108  }
0x21: {  	s3 =	sadd.s32 s3, s9;
	s6 =	sadd.s32 @!p0 $0x88, s6;
	s7 =	simm.s32 @p2 $0x1082  }
0x22: {  	[simem:s7], [sflag:s8] =	dma.local @!p0 [hbm:s6], $0xF7A  }
0x23: {  	s9 =	sor.u32 $0xD0000000, s2;
	s6 =	simm.s32 $0x108;
	_ =	swait.ge @!p0 [sflag:s8], $0x0  }
0x24: {  	s3 =	sadd.s32 $0x88, s3;
	s6 =	simm.s32 @!p1 $0x1082;
	[sflag:s4] =	ssyncset.s32 $0xFFFFF086  }
0x25: {  	[simem:s6], [sflag:s4] =	dma.local [hbm:s3], $0xF7A  }
0x26: {  	[smem:$0x3F92] =	sst s1;
	(tag) =	ssettag s2;
	_ =	strace s9  }
0x27: {  	s1 =	sld [smem:$0x3FA2]  }
0x28: {  	s2 =	sld [smem:$0x3FA3]  }
0x29: {  	s4 =	sld [smem:$0x3FA5]  }
0x2a: {  	p0 =	seq.s32 s5, $0x0;
	s5 =	sld [smem:$0x3FA6]  }
0x2b: {  	s6 =	sld [smem:$0x3FA7]  }
0x2c: {  	s7 =	sld [smem:$0x3FA8]  }
0x2d: {  	s3 =	simm.s32 $0x108;
	s8 =	sld [smem:$0x3FA9]  }
0x2e: {  	s3 =	simm.s32 @!p0 $0x1082;
	s9 =	sld [smem:$0x3FAA]  }
0x2f: {  	lr =	sadd.s32 s0, s3;
	s0 =	sld [smem:$0x3FA1]  }
0x30: {  	s3 =	sld [smem:$0x3FA4]  }
0x31: {  	[smem:$0x3FAD] =	sst s10  }
0x32: {  	s10 =	sld [smem:$0x3FAB];
	_ =	sdelay $0x3  }
0x33: {  	p0 =	seq.s32 s10, $0x1;
	s10 =	sld [smem:$0x3FAD];
	_ =	sdelay $0x3  }
0x34: {  	[smem:$0x3FAD] =	sst s10  }
0x35: {  	s10 =	sld [smem:$0x3FAC];
	_ =	sdelay $0x3  }
0x36: {  	p1 =	seq.s32 s10, $0x1;
	s10 =	sld [smem:$0x3FAD];
	_ =	sdelay $0x3  }
0x37: {  	[smem:$0x3FAD] =	sst s10  }
0x38: {  	s10 =	sld [smem:$0x3FAE]  }
0x39: {  	_ = 	snop;
	(pc) =	sbr.ind lr, $3  }
0x3a: {  	_ = 	snop  }
0x3b: {  	_ = 	snop  }
0x3c: {  	p2 =	seq.s32 s10, $0x1;
	s10 =	sld [smem:$0x3FAD]  }
0x3d: {  	_ =	shalt  }
0x3e: {  	_ =	shalt  }
0x3f: {  	_ =	shalt  }
0x40: {  	_ =	shalt  }
0x41: {  	_ =	shalt  }
0x42: {  	_ =	shalt  }
0x43: {  	_ =	shalt  }
0x44: {  	_ =	shalt  }
0x45: {  	_ =	shalt  }
0x46: {  	_ =	shalt  }
0x47: {  	_ =	shalt  }
0x48: {  	_ =	shalt  }
0x49: {  	_ =	shalt  }
0x4a: {  	_ =	shalt  }
0x4b: {  	_ =	shalt  }
0x4c: {  	_ =	shalt  }
0x4d: {  	_ =	shalt  }
0x4e: {  	_ =	shalt  }
0x4f: {  	_ =	shalt  }
0x50: {  	_ =	shalt  }
0x51: {  	_ =	shalt  }
0x52: {  	_ =	shalt  }
0x53: {  	_ =	shalt  }
0x54: {  	_ =	shalt  }
0x55: {  	_ =	shalt  }
0x56: {  	_ =	shalt  }
0x57: {  	_ =	shalt  }
0x58: {  	_ =	shalt  }
0x59: {  	_ =	shalt  }
0x5a: {  	_ =	shalt  }
0x5b: {  	_ =	shalt  }
0x5c: {  	_ =	shalt  }
0x5d: {  	_ =	shalt  }
0x5e: {  	_ =	shalt  }
0x5f: {  	_ =	shalt  }
0x60: {  	_ =	shalt  }
0x61: {  	_ =	shalt  }
0x62: {  	_ =	shalt  }
0x63: {  	_ =	shalt  }
0x64: {  	_ =	shalt  }
0x65: {  	_ =	shalt  }
0x66: {  	_ =	shalt  }
0x67: {  	_ =	shalt  }
0x68: {  	_ =	shalt  }
0x69: {  	_ =	shalt  }
0x6a: {  	_ =	shalt  }
0x6b: {  	_ =	shalt  }
0x6c: {  	_ =	shalt  }
0x6d: {  	_ =	shalt  }
0x6e: {  	_ =	shalt  }
0x6f: {  	_ =	shalt  }
0x70: {  	_ =	shalt  }
0x71: {  	_ =	shalt  }
0x72: {  	_ =	shalt  }
0x73: {  	_ =	shalt  }
0x74: {  	_ =	shalt  }
0x75: {  	_ =	shalt  }
0x76: {  	_ =	shalt  }
0x77: {  	_ =	shalt  }
0x78: {  	_ =	shalt  }
0x79: {  	_ =	shalt  }
0x7a: {  	_ =	shalt  }
0x7b: {  	_ =	shalt  }
0x7c: {  	_ =	shalt  }
0x7d: {  	_ =	shalt  }
0x7e: {  	_ =	shalt  }
0x7f: {  	_ =	shalt  }
0x80: {  	_ =	shalt  }
0x81: {  	_ =	shalt  }
0x82: {  	_ =	shalt  }
0x83: {  	_ =	shalt  }
0x84: {  	_ =	shalt  }
0x85: {  	_ =	shalt  }
0x86: {  	_ =	shalt  }
0x87: {  	_ =	shalt  }
.Lfunc_end0:
.L_simem_size_0:
called_computation.1_lowered:
.L_overlay_start_0:
0x88: {  	s2 =	sld [smem:$0x3FD9]  }
0x89: {  	s3 =	sld [smem:$0x3FFE];
	_ =	sdelay $0x1  }
0x8a: {  	s1 =	srdreg.scid  }
0x8b: {  	s0 =	sand.u32 $0x1, s1  }
0x8c: {  	s16 =	sshll.u32 s0, $0xA;
	s2 =	sadd.s32 s3, s2  }
0x8d: {  	s2 =	sadd.s32 s2, s16  }
0x8e: {  	[smem:$0x3FB9] =	sst s2  }
0x8f: {  	_ = 	snop  }
0x90: {  	(tm) =	ssettm $0x1  }
0x91: {  	s17 =	sld [smem:$0x3FFB];
	_ =	sdelay $0x3  }
0x92: {  	_ =	strace s17  }
0x93: {  	s2 =	sld [smem:$0x3FFC];
	_ =	sdelay $0x3  }
0x94: {  	_ =	strace s2  }
0x95: {  	s2 =	sld [smem:$0x3FFD];
	_ =	sdelay $0x3  }
0x96: {  	_ =	strace s2  }
0x97: {  	_ =	strace $0x8FFFFFFF  }
0x98: {  	s18 =	sld [smem:$0x3FDB];
	_ =	sdelay $0x1  }
0x99: {  	s19 =	simm.s32 $_scs_section_size  }
0x9a: {  	s4 =	simm.s32 $_size__tile_overlayer_lowered;
	s5 =	simm.s32 $_tile_overlayer_lowered  }
0x9b: {  	s22 =	simm.s32 $0x1BFF;
	s21 =	sshll.u32 s5, $0x1;
	s2 =	sadd.s32 s19, s18  }
0x9c: {  	s6 =	simm.s32 $0x0;
	s20 =	sshll.u32 s4, $0x1;
	s4 =	sadd.s32 s21, s2  }
0x9d: {  	[timem:s6], [sflag:s22] =	dma.local [hbm:s4], s20  }
0x9e: {  	_ =	swait.ge [sflag:s22], s20  }
0x9f: {  	s3 =	ssub.s32 $0x0, s20;
	[sflag:s22] =	ssyncset.done $0x0  }
0xa0: {  	[sflag:s22] =	ssyncadd.s32 s3;
	_ =	sdelay $0x1  }
0xa1: {  	s23 =	simm.s32 $0x1B8B  }
0xa2: {  	_ =	swait.ge [sflag:s23], $0x1  }
0xa3: {  	[sflag:s23] =	ssyncset.done $0x0  }
0xa4: {  	s25 =	simm.s32 $0x1B8E;
	s24 =	sld [smem:$0x3FFE];
	[sflag:s23] =	ssyncadd.s32 $0xFFFFFFFF  }
0xa5: {  	s26 =	simm.s32 $execute0_lowered;
	[smem:$0x3FD2] =	sst s25  }
0xa6: {  	s4 =	sshll.u32 s26, $0x1;
	_ =	strace $0x80000049;
	[dreg:$0x1] =	wrdreg $0xFFFFFFFF  }
0xa7: {  	s28 =	simm.s32 $_size_execute0_lowered;
	s2 =	sadd.s32 s2, s4;
	[dreg:$0x0] =	wrdreg $0x0  }
0xa8: {  	s4 =	sshll.u32 s28, $0x1;
	[dreg:$0x2] =	wrdreg s2  }
0xa9: {  	[dreg:$0x3] =	wrdreg s4  }
0xaa: {  	[dreg:$0x4] =	wrdreg $0xC0  }
0xab: {  	_ =	task [dreg:s6], $0x5FFFF  }
0xac: {  	[dreg:$0x1] =	wrdreg $0xFFFFFFFF  }
0xad: {  	[dreg:$0x0] =	wrdreg $0x60  }
0xae: {  	[dreg:$0x2] =	wrdreg s24  }
0xaf: {  	[dreg:$0x3] =	wrdreg $0xA0000  }
0xb0: {  	[dreg:$0x4] =	wrdreg $0x9  }
0xb1: {  	_ =	task.clear_ibuf [dreg:s6], $0x5FFFF;
	_ =	strace $0x90000049  }
0xb2: {  	s29 =	simm.s32 $0x9;
	_ =	strace $0x8000004B  }
0xb3: {  	_ =	swait.ge [sflag:s29], $0x1  }
0xb4: {  	[sflag:s29] =	ssyncadd.s32 $0xFFFFFFFF  }
0xb5: {  	_ =	strace $0x9000004B  }
0xb6: {  	_ =	sfence  }
0xb7: {  	s30 =	sld [smem:$0x0];
	_ =	sdelay $0x2  }
0xb8: {  	s31 =	sshll.u32 s1, $0xD;
	s1 =	sshrl.u32 s1, $0x2  }
0xb9: {  	s3 =	sand.u32 $0x4000, s31;
	s1 =	sadd.s32 s1, s30  }
0xba: {  	s0 =	sor.u32 s3, s0;
	s1 =	sshll.u32 s1, $0x11  }
0xbb: {  	s0 =	sor.u32 s1, s0  }
0xbc: {  	s0 =	sadd.s32 $0x8F2B, s0  }
0xbd: {  	[sflag:s0] =	ssyncadd.remote.s32 $0x1  }
0xbe: {  	_ =	sfence.sel $0xFFFF  }
0xbf: {  	[dreg:$0x0] =	wrdreg $0xFFFFFFFF;
	(pc) =	sbr.abs _section_cstart, $3  }
0xc0: {  	[dreg:$0x1] =	wrdreg $0xFFFFFFFF  }
0xc1: {  	_ =	task.clear_ibuf [dreg:s6], $0x2FFFF;
	_ =	strace $0x9FFFFFFF  }
0xc2: {  	(tm) =	ssettm $0x7FFFFFFF  }
0xc3: {  	_ =	shalt  }
tec
execute0_lowered:
.L_overlay_start_1:
0x0: {  	(tag) =	ssettag $0x1  }
0x1: {  	s7 =	rddreg [dreg:$0x0]  }
0x2: {  	s2 =	rddreg [dreg:$0x1]  }
0x3: {  	s0 =	rddreg [dreg:$0x2];
	s1 =	stileid.u32  }
0x4: {  	s4 =	srdreg.scid;
	s3 =	simm.s32 $0x0;
	s16 =	simm.s32 $0x80  }
0x5: {  	s17 =	simm.s32 $0x2000;
	s18 =	simm.s32 $0x6000;
	s19 =	simm.s32 $0x1  }
0x6: {  	s20 =	simm.s32 $0x2;
	s21 =	simm.s32 $0x1F00;
	s22 =	simm.s32 $0x1F80  }
0x7: {  	s8 =	smul.u32 $0x13C00, s1;
	s9 =	sand.u32 $0x1, s4;
	[smem:$0x7FF] =	sst s3  }
0x8: {  	s4 =	sadd.s32 $0x34400, s7;
	s5 =	sadd.s32 $0x8DC00, s7;
	s28 =	smul.u32 $0x4F000, s1  }
0x9: {  	s6 =	sadd.s32 $0x83C00, s7;
	s31 =	sshll.u32 s1, $0x6;
	s10 =	smul.u32 $0x13C000, s9  }
0xa: {  	_ =	strace $0x8000004A;
	s29 =	ssub.s32 $0x2, s9;
	s13 =	smul.u32 $0x50000, s9  }
0xb: {  	s9 =	sor.u32 $0x1C03, s31;
	s11 =	sshrl.u32 s8, $0x3;
	s30 =	sshrl.u32 s29, $0x1  }
0xc: {  	s8 =	sadd.s32 s8, s10;
	s26 =	sadd.s32 s11, s7;
	s11 =	sshrl.u32 s28, $0x2  }
0xd: {  	s14 =	ssub.s32 s29, s30;
	s8 =	sshrl.u32 s8, $0x3;
	s15 =	sadd.s32 s11, s2  }
0xe: {  	s12 =	sadd.s32 s8, s7;
	s7 =	smul.u32 $0x5000, s1;
	s8 =	sadd.s32 $0xCC00, s26  }
0xf: {  	s11 =	sadd.s32 $0xEFE00, s12;
	s12 =	smax.u32 s14, $0x1;
	s14 =	simm.s32 $0x3  }
0x10: {  	s10 =	sadd.s32 s13, s7;
	s13 =	sshrl.u32 s15, $0x3;
	s15 =	simm.s32 $0x1000  }
.LBB2_1:
0x11: {  	[spmem:s13], [sflag:s9] =	dma.local [hbm:s8], $0x2780  }
0x12: {  	_ =	swait.ge [sflag:s14], $0x2780  }
0x13: {  	[sflag:s14] =	ssyncset.done $0x0  }
0x14: {  	[sflag:s14] =	ssyncadd.s32 $0xFFFFD880  }
0x15: {  	s23 =	simm.s32 $0x0;
	[bflag:$0x0] =	sbarrier.arrive $0xFFFF  }
.LBB2_2:
0x16: {  	s24 =	sshll.u32 s23, $0xC  }
0x17: {  	s25 =	sadd.s32 s10, s24  }
0x18: {  	s25 =	sshrl.u32 s25, $0x3  }
0x19: {  	s26 =	simm.s32 $0x0;
	s25 =	sadd.s32 s5, s25  }
0x1a: {  	[tilespmem:s26], [sflag:$0x3] =	stream.linear.gather [hbm4b:s25+s26], $0x1000, $0x38;
	[tilespmem:$0x1DC00] =	vst v63  }
0x1b: {  	s24 =	sadd.s32 s7, s24;
	_ =	swait.ge [sflag:s14], $0x1000  }
0x1c: {  	s24 =	sshrl.u32 s24, $0x3;
	[sflag:s14] =	ssyncset.done $0x0  }
0x1d: {  	s24 =	sadd.s32 s6, s24;
	[sflag:s14] =	ssyncadd.s32 $0xFFFFF000  }
0x1e: {  	[tilespmem:s15], [sflag:$0x3] =	stream.linear.gather [hbm4b:s24+s26], $0x1000, $0x38;
	[tilespmem:$0x1DC00] =	vst v63  }
0x1f: {  	_ =	swait.ge [sflag:s14], $0x1000  }
0x20: {  	[sflag:s14] =	ssyncset.done $0x0  }
0x21: {  	[sflag:s14] =	ssyncadd.s32 $0xFFFFF000  }
0x22: {  	[tilespmem:s17], [sflag:$0x1] =	stream.indirect.gather [hbm4b:s4+s16], $0x80, s26, s16, $0xb8;
	[tilespmem:$0x1DC00] =	vst v63  }
0x23: {  	_ = 	snop  }
0x24: {  	[tilespmem:s18], [sflag:$0x2] =	stream.indirect.gather [hbm4b:s4+s16], $0x80, s16, s16, $0xb8;
	[tilespmem:$0x1DC00] =	vst v63  }
0x25: {  	_ =	swait.ge [sflag:s19], $0x4000  }
0x26: {  	[sflag:s19] =	ssyncset.done $0x0  }
0x27: {  	s29 =	simm.s32 $0x1000;
	[sflag:s19] =	ssyncadd.s32 $0xFFFFC000  }
0x28: {  	[spmem:s2] =	stream.indirect.scatter.add.f32 [tilespmem:s17], [sflag:$0x3], $0x80, s29, s16, $0xb8;
	[tilespmem:$0x1DC00] =	vst v63  }
0x29: {  	_ =	swait.ge [sflag:s14], $0x4000  }
0x2a: {  	[sflag:s14] =	ssyncset.done $0x0  }
0x2b: {  	s30 =	simm.s32 $0x100;
	[sflag:s14] =	ssyncadd.s32 $0xFFFFC000  }
0x2c: {  	[tilespmem:s17], [sflag:$0x1] =	stream.indirect.gather [hbm4b:s4+s16], $0x80, s30, s16, $0xb8;
	[tilespmem:$0x1DC00] =	vst v63  }
0x2d: {  	_ =	swait.ge [sflag:s20], $0x4000  }
0x2e: {  	[sflag:s20] =	ssyncset.done $0x0  }
0x2f: {  	s31 =	simm.s32 $0x1080;
	[sflag:s20] =	ssyncadd.s32 $0xFFFFC000  }
0x30: {  	[spmem:s2] =	stream.indirect.scatter.add.f32 [tilespmem:s18], [sflag:$0x3], $0x80, s31, s16, $0xb8;
	[tilespmem:$0x1DC00] =	vst v63  }
0x31: {  	_ =	swait.ge [sflag:s14], $0x4000  }
0x32: {  	[sflag:s14] =	ssyncset.done $0x0  }
0x33: {  	s25 =	simm.s32 $0x180;
	s24 =	simm.s32 $0x400;
	[sflag:s14] =	ssyncadd.s32 $0xFFFFC000  }
.LBB2_3:
0x34: {  	[tilespmem:s18], [sflag:$0x2] =	stream.indirect.gather [hbm4b:s4+s16], $0x80, s25, s16, $0xb8;
	[tilespmem:$0x1DC00] =	vst v63  }
0x35: {  	s25 =	smov.u32 s24  }
0x36: {  	p0 =	sne.s32 s24, $0x3800;
	s24 =	sadd.s32 $0x400, s24;
	_ =	swait.ge [sflag:s19], $0x4000  }
0x37: {  	s25 =	sshra.s32 s25, $0x2;
	[sflag:s19] =	ssyncset.done $0x0  }
0x38: {  	s26 =	sadd.s32 $0x1000, s25;
	[sflag:s19] =	ssyncadd.s32 $0xFFFFC000  }
0x39: {  	[spmem:s2] =	stream.indirect.scatter.add.f32 [tilespmem:s17], [sflag:$0x3], $0x80, s26, s16, $0xb8;
	[tilespmem:$0x1DC00] =	vst v63  }
0x3a: {  	_ =	swait.ge [sflag:s14], $0x4000  }
0x3b: {  	[sflag:s14] =	ssyncset.done $0x0  }
0x3c: {  	s26 =	sadd.s32 $0x100, s25;
	[sflag:s14] =	ssyncadd.s32 $0xFFFFC000  }
0x3d: {  	[tilespmem:s17], [sflag:$0x1] =	stream.indirect.gather [hbm4b:s4+s16], $0x80, s26, s16, $0xb8;
	[tilespmem:$0x1DC00] =	vst v63  }
0x3e: {  	_ =	swait.ge [sflag:s20], $0x4000  }
0x3f: {  	[sflag:s20] =	ssyncset.done $0x0  }
.Ltmp0:
0x40: {  	s26 =	sadd.s32 $0x1080, s25;
	[sflag:s20] =	ssyncadd.s32 $0xFFFFC000;
	(pc) =	sbr.rel @p0 .LBB2_3-.Ltmp0, $4  }
0x41: {  	[spmem:s2] =	stream.indirect.scatter.add.f32 [tilespmem:s18], [sflag:$0x3], $0x80, s26, s16, $0xb8;
	[tilespmem:$0x1DC00] =	vst v63  }
0x42: {  	_ =	swait.ge [sflag:s14], $0x4000  }
0x43: {  	[sflag:s14] =	ssyncset.done $0x0  }
0x44: {  	s25 =	sadd.s32 $0x180, s25;
	[sflag:s14] =	ssyncadd.s32 $0xFFFFC000  }
0x45: {  	[tilespmem:s18], [sflag:$0x2] =	stream.indirect.gather [hbm4b:s4+s16], $0x80, s25, s16, $0xb8;
	[tilespmem:$0x1DC00] =	vst v63  }
0x46: {  	_ =	swait.ge [sflag:s19], $0x4000  }
0x47: {  	[sflag:s19] =	ssyncset.done $0x0  }
0x48: {  	[sflag:s19] =	ssyncadd.s32 $0xFFFFC000  }
0x49: {  	[spmem:s2] =	stream.indirect.scatter.add.f32 [tilespmem:s17], [sflag:$0x3], $0x80, s21, s16, $0xb8;
	[tilespmem:$0x1DC00] =	vst v63  }
0x4a: {  	_ =	swait.ge [sflag:s14], $0x4000  }
0x4b: {  	[sflag:s14] =	ssyncset.done $0x0  }
0x4c: {  	[sflag:s14] =	ssyncadd.s32 $0xFFFFC000  }
0x4d: {  	s23 =	sadd.s32 $0x1, s23;
	_ =	swait.ge [sflag:s20], $0x4000  }
0x4e: {  	p0 =	sne.s32 s23, $0x5;
	[sflag:s20] =	ssyncset.done $0x0  }
.Ltmp1:
0x4f: {  	[sflag:s20] =	ssyncadd.s32 $0xFFFFC000;
	(pc) =	sbr.rel @p0 .LBB2_2-.Ltmp1, $4  }
0x50: {  	[spmem:s2] =	stream.indirect.scatter.add.f32 [tilespmem:s18], [sflag:$0x3], $0x80, s22, s16, $0xb8;
	[tilespmem:$0x1DC00] =	vst v63  }
0x51: {  	_ =	swait.ge [sflag:s14], $0x4000  }
0x52: {  	[sflag:s14] =	ssyncset.done $0x0  }
0x53: {  	[sflag:s14] =	ssyncadd.s32 $0xFFFFC000  }
0x54: {  	s3 =	sadd.s32 $0x1, s3  }
0x55: {  	p0 =	sne.s32 s3, s12  }
.Ltmp2:
0x56: {  	[bflag:$0x0] =	sbarrier.arrive $0xFFFF;
	(pc) =	sbr.rel @p0 .LBB2_1-.Ltmp2, $4  }
0x57: {  	[hbm:s11], [sflag:s9] =	dma.local [spmem:s13], $0x2780  }
0x58: {  	_ =	swait.ge [sflag:s14], $0x2780  }
0x59: {  	[sflag:s14] =	ssyncset.done $0x0  }
0x5a: {  	[sflag:s14] =	ssyncadd.s32 $0xFFFFD880  }
0x5b: {  	_ =	sfence.sel $0x180000  }
0x5c: {  	[bflag:$0x0] =	sbarrier.arrive $0xFFFF  }
0x5d: {  	p0 =	sne.s32 s1, $0x0;
	_ =	strace $0x9000004A  }
0x5e: {  	s0 =	sadd.s32 @!p0 $0x100000, s0;
	[bflag:$0x2] =	sbarrier.arrive $0xFFFF  }
0x5f: {  	[sflag:s0] =	ssyncadd.tile.s32 @!p0 $0x1;
	_ =	shalt  }
.Lfunc_end2:
_tile_overlayer_lowered:
.L_overlay_start_2:
0x60: {  	(tag) =	ssettag $0x2  }
0x61: {  	s0 =	rddreg [dreg:$0x0];
	s2 =	stileid.u32  }
0x62: {  	s1 =	rddreg [dreg:$0x1];
	p0 =	sne.s32 s2, $0x0  }
0x63: {  	s3 =	rddreg [dreg:$0x2];
	[bflag:$0x3] =	sbarrier.arrive $0xFFFF;
	s2 =	simm.s32 @!p0 $0x1C03  }
0x64: {  	[timem:s3], [sflag:s2] =	dma.local @!p0 [hbm:s0], s1  }
0x65: {  	s0 =	simm.s32 @!p0 $0x3  }
0x66: {  	_ =	swait.ge @!p0 [sflag:s0], s1  }
0x67: {  	s1 =	ssub.s32 @!p0 $0x0, s1;
	[sflag:s0] =	ssyncset.done @!p0 $0x0  }
0x68: {  	[sflag:s0] =	ssyncadd.s32 @!p0 s1  }
0x69: {  	[bflag:$0x3] =	sbarrier.arrive $0xFFFF  }
0x6a: {  	_ =	shalt  }

// kernel: kernel.17.cloned.1.call-start
scs
__scs_entry_jumppad:
0x0: {  	(pc) =	sbr.rel $0x88, $3  }
0x1: {  	(tag) =	ssettag $0x0;
	lr =	simm.s32 $0x1  }
0x2: {  	[smem:$0x3F92] =	sst lr;
	_ =	strace $0xD0000000  }
0x3: {  	_ = 	snop  }
0x4: {  	_ = 	snop  }
0x5: {  	_ = 	snop  }
0x6: {  	_ = 	snop  }
0x7: {  	_ = 	snop  }
__scs_overlays_trampoline_lowered:
0x8: {  	[smem:$0x3FA1] =	sst s0  }
0x9: {  	[smem:$0x3FA2] =	sst s1  }
0xa: {  	[smem:$0x3FA3] =	sst s2  }
0xb: {  	[smem:$0x3FA4] =	sst s3  }
0xc: {  	[smem:$0x3FA5] =	sst s4  }
0xd: {  	[smem:$0x3FA6] =	sst s5  }
0xe: {  	[smem:$0x3FA7] =	sst s6  }
0xf: {  	[smem:$0x3FA8] =	sst s7  }
0x10: {  	[smem:$0x3FA9] =	sst s8  }
0x11: {  	[smem:$0x3FAA] =	sst s9;
	s0 =	simm.s32 @!p0 $0x0  }
0x12: {  	s1 =	sld [smem:$0x3F90];
	s0 =	simm.s32 @p0 $0x1  }
0x13: {  	[smem:$0x3FAB] =	sst s0;
	s0 =	simm.s32 @!p1 $0x0  }
0x14: {  	s2 =	sld [smem:$0x3F8F];
	s0 =	simm.s32 @p1 $0x1  }
0x15: {  	[smem:$0x3FAC] =	sst s0;
	s0 =	simm.s32 @!p2 $0x0  }
0x16: {  	s3 =	sld [smem:$0x3FDB];
	s0 =	simm.s32 @p2 $0x1  }
0x17: {  	s4 =	simm.s32 $0x1BF5;
	[smem:$0x3FAE] =	sst s0  }
0x18: {  	s0 =	sld [smem:$0x3F91];
	_ =	swait.ge [sflag:s4], $0x0  }
0x19: {  	s7 =	sld [smem:$0x3F92]  }
0x1a: {  	s8 =	sadd.s32 $0xFFFFE003, lr  }
0x1b: {  	s9 =	sadd.s32 $0xFFFFFEF7, lr;
	s5 =	simm.s32 $0xFFFFFFFF;
	p2 =	slt.u32 s8, $0xFFFFF086  }
0x1c: {  	p1 =	slt.u32 s9, $0xF7A;
	s5 =	simm.s32 @!p2 $0x0  }
0x1d: {  	s5 =	simm.s32 @p1 $0x1;
	p0 =	seq.s32 s7, s2  }
0x1e: {  	s7 =	smul.u32 @!p0 $0xF7A, s2;
	p2 =	seq.s32 @!p0 s5, $0x0  }
0x1f: {  	s9 =	smul.u32 $0xF7A, s1;
	s8 =	simm.s32 @!p0 $0x1BF5;
	p2 =	por !p2, p0  }
0x20: {  	[sflag:s8] =	ssyncset.s32 @!p0 $0xFFFFF086;
	s6 =	sadd.s32 @!p0 s3, s7;
	s7 =	simm.s32 @!p0 $0x108  }
0x21: {  	s3 =	sadd.s32 s3, s9;
	s6 =	sadd.s32 @!p0 $0x88, s6;
	s7 =	simm.s32 @p2 $0x1082  }
0x22: {  	[simem:s7], [sflag:s8] =	dma.local @!p0 [hbm:s6], $0xF7A  }
0x23: {  	s9 =	sor.u32 $0xD0000000, s2;
	s6 =	simm.s32 $0x108;
	_ =	swait.ge @!p0 [sflag:s8], $0x0  }
0x24: {  	s3 =	sadd.s32 $0x88, s3;
	s6 =	simm.s32 @!p1 $0x1082;
	[sflag:s4] =	ssyncset.s32 $0xFFFFF086  }
0x25: {  	[simem:s6], [sflag:s4] =	dma.local [hbm:s3], $0xF7A  }
0x26: {  	[smem:$0x3F92] =	sst s1;
	(tag) =	ssettag s2;
	_ =	strace s9  }
0x27: {  	s1 =	sld [smem:$0x3FA2]  }
0x28: {  	s2 =	sld [smem:$0x3FA3]  }
0x29: {  	s4 =	sld [smem:$0x3FA5]  }
0x2a: {  	p0 =	seq.s32 s5, $0x0;
	s5 =	sld [smem:$0x3FA6]  }
0x2b: {  	s6 =	sld [smem:$0x3FA7]  }
0x2c: {  	s7 =	sld [smem:$0x3FA8]  }
0x2d: {  	s3 =	simm.s32 $0x108;
	s8 =	sld [smem:$0x3FA9]  }
0x2e: {  	s3 =	simm.s32 @!p0 $0x1082;
	s9 =	sld [smem:$0x3FAA]  }
0x2f: {  	lr =	sadd.s32 s0, s3;
	s0 =	sld [smem:$0x3FA1]  }
0x30: {  	s3 =	sld [smem:$0x3FA4]  }
0x31: {  	[smem:$0x3FAD] =	sst s10  }
0x32: {  	s10 =	sld [smem:$0x3FAB];
	_ =	sdelay $0x3  }
0x33: {  	p0 =	seq.s32 s10, $0x1;
	s10 =	sld [smem:$0x3FAD];
	_ =	sdelay $0x3  }
0x34: {  	[smem:$0x3FAD] =	sst s10  }
0x35: {  	s10 =	sld [smem:$0x3FAC];
	_ =	sdelay $0x3  }
0x36: {  	p1 =	seq.s32 s10, $0x1;
	s10 =	sld [smem:$0x3FAD];
	_ =	sdelay $0x3  }
0x37: {  	[smem:$0x3FAD] =	sst s10  }
0x38: {  	s10 =	sld [smem:$0x3FAE]  }
0x39: {  	_ = 	snop;
	(pc) =	sbr.ind lr, $3  }
0x3a: {  	_ = 	snop  }
0x3b: {  	_ = 	snop  }
0x3c: {  	p2 =	seq.s32 s10, $0x1;
	s10 =	sld [smem:$0x3FAD]  }
0x3d: {  	_ =	shalt  }
0x3e: {  	_ =	shalt  }
0x3f: {  	_ =	shalt  }
0x40: {  	_ =	shalt  }
0x41: {  	_ =	shalt  }
0x42: {  	_ =	shalt  }
0x43: {  	_ =	shalt  }
0x44: {  	_ =	shalt  }
0x45: {  	_ =	shalt  }
0x46: {  	_ =	shalt  }
0x47: {  	_ =	shalt  }
0x48: {  	_ =	shalt  }
0x49: {  	_ =	shalt  }
0x4a: {  	_ =	shalt  }
0x4b: {  	_ =	shalt  }
0x4c: {  	_ =	shalt  }
0x4d: {  	_ =	shalt  }
0x4e: {  	_ =	shalt  }
0x4f: {  	_ =	shalt  }
0x50: {  	_ =	shalt  }
0x51: {  	_ =	shalt  }
0x52: {  	_ =	shalt  }
0x53: {  	_ =	shalt  }
0x54: {  	_ =	shalt  }
0x55: {  	_ =	shalt  }
0x56: {  	_ =	shalt  }
0x57: {  	_ =	shalt  }
0x58: {  	_ =	shalt  }
0x59: {  	_ =	shalt  }
0x5a: {  	_ =	shalt  }
0x5b: {  	_ =	shalt  }
0x5c: {  	_ =	shalt  }
0x5d: {  	_ =	shalt  }
0x5e: {  	_ =	shalt  }
0x5f: {  	_ =	shalt  }
0x60: {  	_ =	shalt  }
0x61: {  	_ =	shalt  }
0x62: {  	_ =	shalt  }
0x63: {  	_ =	shalt  }
0x64: {  	_ =	shalt  }
0x65: {  	_ =	shalt  }
0x66: {  	_ =	shalt  }
0x67: {  	_ =	shalt  }
0x68: {  	_ =	shalt  }
0x69: {  	_ =	shalt  }
0x6a: {  	_ =	shalt  }
0x6b: {  	_ =	shalt  }
0x6c: {  	_ =	shalt  }
0x6d: {  	_ =	shalt  }
0x6e: {  	_ =	shalt  }
0x6f: {  	_ =	shalt  }
0x70: {  	_ =	shalt  }
0x71: {  	_ =	shalt  }
0x72: {  	_ =	shalt  }
0x73: {  	_ =	shalt  }
0x74: {  	_ =	shalt  }
0x75: {  	_ =	shalt  }
0x76: {  	_ =	shalt  }
0x77: {  	_ =	shalt  }
0x78: {  	_ =	shalt  }
0x79: {  	_ =	shalt  }
0x7a: {  	_ =	shalt  }
0x7b: {  	_ =	shalt  }
0x7c: {  	_ =	shalt  }
0x7d: {  	_ =	shalt  }
0x7e: {  	_ =	shalt  }
0x7f: {  	_ =	shalt  }
0x80: {  	_ =	shalt  }
0x81: {  	_ =	shalt  }
0x82: {  	_ =	shalt  }
0x83: {  	_ =	shalt  }
0x84: {  	_ =	shalt  }
0x85: {  	_ =	shalt  }
0x86: {  	_ =	shalt  }
0x87: {  	_ =	shalt  }
.Lfunc_end0:
.L_simem_size_0:
called_computation.2_lowered:
.L_overlay_start_0:
0x88: {  	s2 =	sld [smem:$0x3FD9]  }
0x89: {  	s3 =	sld [smem:$0x3FFE];
	_ =	sdelay $0x1  }
0x8a: {  	s1 =	srdreg.scid  }
0x8b: {  	s0 =	sand.u32 $0x1, s1  }
0x8c: {  	s16 =	sshll.u32 s0, $0xA;
	s2 =	sadd.s32 s3, s2  }
0x8d: {  	s2 =	sadd.s32 s2, s16  }
0x8e: {  	[smem:$0x3FB9] =	sst s2  }
0x8f: {  	_ = 	snop  }
0x90: {  	(tm) =	ssettm $0x1  }
0x91: {  	s17 =	sld [smem:$0x3FFB];
	_ =	sdelay $0x3  }
0x92: {  	_ =	strace s17  }
0x93: {  	s2 =	sld [smem:$0x3FFC];
	_ =	sdelay $0x3  }
0x94: {  	_ =	strace s2  }
0x95: {  	s2 =	sld [smem:$0x3FFD];
	_ =	sdelay $0x3  }
0x96: {  	_ =	strace s2  }
0x97: {  	_ =	strace $0x8FFFFFFF  }
0x98: {  	s18 =	sld [smem:$0x3FDB];
	_ =	sdelay $0x1  }
0x99: {  	s19 =	simm.s32 $_scs_section_size  }
0x9a: {  	s4 =	simm.s32 $_size__tile_overlayer_lowered;
	s5 =	simm.s32 $_tile_overlayer_lowered  }
0x9b: {  	s22 =	simm.s32 $0x1BFF;
	s21 =	sshll.u32 s5, $0x1;
	s2 =	sadd.s32 s19, s18  }
0x9c: {  	s6 =	simm.s32 $0x0;
	s20 =	sshll.u32 s4, $0x1;
	s4 =	sadd.s32 s21, s2  }
0x9d: {  	[timem:s6], [sflag:s22] =	dma.local [hbm:s4], s20  }
0x9e: {  	_ =	swait.ge [sflag:s22], s20  }
0x9f: {  	s3 =	ssub.s32 $0x0, s20;
	[sflag:s22] =	ssyncset.done $0x0  }
0xa0: {  	[sflag:s22] =	ssyncadd.s32 s3;
	_ =	sdelay $0x1  }
0xa1: {  	s23 =	simm.s32 $0x1B8B  }
0xa2: {  	_ =	swait.ge [sflag:s23], $0x1  }
0xa3: {  	[sflag:s23] =	ssyncset.done $0x0  }
0xa4: {  	s25 =	simm.s32 $0x1B8E;
	s24 =	sld [smem:$0x3FFE];
	[sflag:s23] =	ssyncadd.s32 $0xFFFFFFFF  }
0xa5: {  	s26 =	simm.s32 $execute0_lowered;
	[smem:$0x3FD2] =	sst s25  }
0xa6: {  	s4 =	sshll.u32 s26, $0x1;
	_ =	strace $0x8000004C;
	[dreg:$0x1] =	wrdreg $0xFFFFFFFF  }
0xa7: {  	s28 =	simm.s32 $_size_execute0_lowered;
	s2 =	sadd.s32 s2, s4;
	[dreg:$0x0] =	wrdreg $0x0  }
0xa8: {  	s4 =	sshll.u32 s28, $0x1;
	[dreg:$0x2] =	wrdreg s2  }
0xa9: {  	[dreg:$0x3] =	wrdreg s4  }
0xaa: {  	[dreg:$0x4] =	wrdreg $0xC0  }
0xab: {  	_ =	task [dreg:s6], $0x5FFFF  }
0xac: {  	[dreg:$0x1] =	wrdreg $0xFFFFFFFF  }
0xad: {  	[dreg:$0x0] =	wrdreg $0x60  }
0xae: {  	[dreg:$0x2] =	wrdreg s24  }
0xaf: {  	[dreg:$0x3] =	wrdreg $0xA0000  }
0xb0: {  	[dreg:$0x4] =	wrdreg $0x9  }
0xb1: {  	_ =	task.clear_ibuf [dreg:s6], $0x5FFFF;
	_ =	strace $0x9000004C  }
0xb2: {  	s29 =	simm.s32 $0x9;
	_ =	strace $0x8000004E  }
0xb3: {  	_ =	swait.ge [sflag:s29], $0x1  }
0xb4: {  	[sflag:s29] =	ssyncadd.s32 $0xFFFFFFFF  }
0xb5: {  	_ =	strace $0x9000004E  }
0xb6: {  	_ =	sfence  }
0xb7: {  	s30 =	sld [smem:$0x0];
	_ =	sdelay $0x2  }
0xb8: {  	s31 =	sshll.u32 s1, $0xD;
	s1 =	sshrl.u32 s1, $0x2  }
0xb9: {  	s3 =	sand.u32 $0x4000, s31;
	s1 =	sadd.s32 s1, s30  }
0xba: {  	s0 =	sor.u32 s3, s0;
	s1 =	sshll.u32 s1, $0x11  }
0xbb: {  	s0 =	sor.u32 s1, s0  }
0xbc: {  	s0 =	sadd.s32 $0x8F2B, s0  }
0xbd: {  	[sflag:s0] =	ssyncadd.remote.s32 $0x1  }
0xbe: {  	_ =	sfence.sel $0xFFFF  }
0xbf: {  	[dreg:$0x0] =	wrdreg $0xFFFFFFFF;
	(pc) =	sbr.abs _section_cstart, $3  }
0xc0: {  	[dreg:$0x1] =	wrdreg $0xFFFFFFFF  }
0xc1: {  	_ =	task.clear_ibuf [dreg:s6], $0x2FFFF;
	_ =	strace $0x9FFFFFFF  }
0xc2: {  	(tm) =	ssettm $0x7FFFFFFF  }
0xc3: {  	_ =	shalt  }
tec
execute0_lowered:
.L_overlay_start_1:
0x0: {  	(tag) =	ssettag $0x1  }
0x1: {  	s7 =	rddreg [dreg:$0x0]  }
0x2: {  	s2 =	rddreg [dreg:$0x1]  }
0x3: {  	s0 =	rddreg [dreg:$0x2];
	s1 =	stileid.u32  }
0x4: {  	s4 =	srdreg.scid;
	s3 =	simm.s32 $0x0;
	s16 =	simm.s32 $0x80  }
0x5: {  	s17 =	simm.s32 $0x2000;
	s18 =	simm.s32 $0x6000;
	s19 =	simm.s32 $0x1  }
0x6: {  	s20 =	simm.s32 $0x2;
	s21 =	simm.s32 $0x1F00;
	s22 =	simm.s32 $0x1F80  }
0x7: {  	s8 =	smul.u32 $0x13C00, s1;
	s9 =	sand.u32 $0x1, s4;
	[smem:$0x7FF] =	sst s3  }
0x8: {  	s4 =	sadd.s32 $0x34400, s7;
	s5 =	sadd.s32 $0x8DC00, s7;
	s28 =	smul.u32 $0x4F000, s1  }
0x9: {  	s6 =	sadd.s32 $0x83C00, s7;
	s31 =	sshll.u32 s1, $0x6;
	s10 =	smul.u32 $0x13C000, s9  }
0xa: {  	_ =	strace $0x8000004D;
	s29 =	ssub.s32 $0x2, s9;
	s13 =	smul.u32 $0x50000, s9  }
0xb: {  	s9 =	sor.u32 $0x1C03, s31;
	s11 =	sshrl.u32 s8, $0x3;
	s30 =	sshrl.u32 s29, $0x1  }
0xc: {  	s8 =	sadd.s32 s8, s10;
	s26 =	sadd.s32 s11, s7;
	s11 =	sshrl.u32 s28, $0x2  }
0xd: {  	s14 =	ssub.s32 s29, s30;
	s8 =	sshrl.u32 s8, $0x3;
	s15 =	sadd.s32 s11, s2  }
0xe: {  	s12 =	sadd.s32 s8, s7;
	s7 =	smul.u32 $0x5000, s1;
	s8 =	sadd.s32 $0xCC00, s26  }
0xf: {  	s11 =	sadd.s32 $0xEFE00, s12;
	s12 =	smax.u32 s14, $0x1;
	s14 =	simm.s32 $0x3  }
0x10: {  	s10 =	sadd.s32 s13, s7;
	s13 =	sshrl.u32 s15, $0x3;
	s15 =	simm.s32 $0x1000  }
.LBB2_1:
0x11: {  	[spmem:s13], [sflag:s9] =	dma.local [hbm:s8], $0x2780  }
0x12: {  	_ =	swait.ge [sflag:s14], $0x2780  }
0x13: {  	[sflag:s14] =	ssyncset.done $0x0  }
0x14: {  	[sflag:s14] =	ssyncadd.s32 $0xFFFFD880  }
0x15: {  	s23 =	simm.s32 $0x0;
	[bflag:$0x0] =	sbarrier.arrive $0xFFFF  }
.LBB2_2:
0x16: {  	s24 =	sshll.u32 s23, $0xC  }
0x17: {  	s25 =	sadd.s32 s10, s24  }
0x18: {  	s25 =	sshrl.u32 s25, $0x3  }
0x19: {  	s26 =	simm.s32 $0x0;
	s25 =	sadd.s32 s5, s25  }
0x1a: {  	[tilespmem:s26], [sflag:$0x3] =	stream.linear.gather [hbm4b:s25+s26], $0x1000, $0x38;
	[tilespmem:$0x1DC00] =	vst v63  }
0x1b: {  	s24 =	sadd.s32 s7, s24;
	_ =	swait.ge [sflag:s14], $0x1000  }
0x1c: {  	s24 =	sshrl.u32 s24, $0x3;
	[sflag:s14] =	ssyncset.done $0x0  }
0x1d: {  	s24 =	sadd.s32 s6, s24;
	[sflag:s14] =	ssyncadd.s32 $0xFFFFF000  }
0x1e: {  	[tilespmem:s15], [sflag:$0x3] =	stream.linear.gather [hbm4b:s24+s26], $0x1000, $0x38;
	[tilespmem:$0x1DC00] =	vst v63  }
0x1f: {  	_ =	swait.ge [sflag:s14], $0x1000  }
0x20: {  	[sflag:s14] =	ssyncset.done $0x0  }
0x21: {  	[sflag:s14] =	ssyncadd.s32 $0xFFFFF000  }
0x22: {  	[tilespmem:s17], [sflag:$0x1] =	stream.indirect.gather [hbm4b:s4+s16], $0x80, s26, s16, $0xb8;
	[tilespmem:$0x1DC00] =	vst v63  }
0x23: {  	_ = 	snop  }
0x24: {  	[tilespmem:s18], [sflag:$0x2] =	stream.indirect.gather [hbm4b:s4+s16], $0x80, s16, s16, $0xb8;
	[tilespmem:$0x1DC00] =	vst v63  }
0x25: {  	_ =	swait.ge [sflag:s19], $0x4000  }
0x26: {  	[sflag:s19] =	ssyncset.done $0x0  }
0x27: {  	s29 =	simm.s32 $0x1000;
	[sflag:s19] =	ssyncadd.s32 $0xFFFFC000  }
0x28: {  	[spmem:s2] =	stream.indirect.scatter.add.f32 [tilespmem:s17], [sflag:$0x3], $0x80, s29, s16, $0xb8;
	[tilespmem:$0x1DC00] =	vst v63  }
0x29: {  	_ =	swait.ge [sflag:s14], $0x4000  }
0x2a: {  	[sflag:s14] =	ssyncset.done $0x0  }
0x2b: {  	s30 =	simm.s32 $0x100;
	[sflag:s14] =	ssyncadd.s32 $0xFFFFC000  }
0x2c: {  	[tilespmem:s17], [sflag:$0x1] =	stream.indirect.gather [hbm4b:s4+s16], $0x80, s30, s16, $0xb8;
	[tilespmem:$0x1DC00] =	vst v63  }
0x2d: {  	_ =	swait.ge [sflag:s20], $0x4000  }
0x2e: {  	[sflag:s20] =	ssyncset.done $0x0  }
0x2f: {  	s31 =	simm.s32 $0x1080;
	[sflag:s20] =	ssyncadd.s32 $0xFFFFC000  }
0x30: {  	[spmem:s2] =	stream.indirect.scatter.add.f32 [tilespmem:s18], [sflag:$0x3], $0x80, s31, s16, $0xb8;
	[tilespmem:$0x1DC00] =	vst v63  }
0x31: {  	_ =	swait.ge [sflag:s14], $0x4000  }
0x32: {  	[sflag:s14] =	ssyncset.done $0x0  }
0x33: {  	s25 =	simm.s32 $0x180;
	s24 =	simm.s32 $0x400;
	[sflag:s14] =	ssyncadd.s32 $0xFFFFC000  }
.LBB2_3:
0x34: {  	[tilespmem:s18], [sflag:$0x2] =	stream.indirect.gather [hbm4b:s4+s16], $0x80, s25, s16, $0xb8;
	[tilespmem:$0x1DC00] =	vst v63  }
0x35: {  	s25 =	smov.u32 s24  }
0x36: {  	p0 =	sne.s32 s24, $0x3800;
	s24 =	sadd.s32 $0x400, s24;
	_ =	swait.ge [sflag:s19], $0x4000  }
0x37: {  	s25 =	sshra.s32 s25, $0x2;
	[sflag:s19] =	ssyncset.done $0x0  }
0x38: {  	s26 =	sadd.s32 $0x1000, s25;
	[sflag:s19] =	ssyncadd.s32 $0xFFFFC000  }
0x39: {  	[spmem:s2] =	stream.indirect.scatter.add.f32 [tilespmem:s17], [sflag:$0x3], $0x80, s26, s16, $0xb8;
	[tilespmem:$0x1DC00] =	vst v63  }
0x3a: {  	_ =	swait.ge [sflag:s14], $0x4000  }
0x3b: {  	[sflag:s14] =	ssyncset.done $0x0  }
0x3c: {  	s26 =	sadd.s32 $0x100, s25;
	[sflag:s14] =	ssyncadd.s32 $0xFFFFC000  }
0x3d: {  	[tilespmem:s17], [sflag:$0x1] =	stream.indirect.gather [hbm4b:s4+s16], $0x80, s26, s16, $0xb8;
	[tilespmem:$0x1DC00] =	vst v63  }
0x3e: {  	_ =	swait.ge [sflag:s20], $0x4000  }
0x3f: {  	[sflag:s20] =	ssyncset.done $0x0  }
.Ltmp0:
0x40: {  	s26 =	sadd.s32 $0x1080, s25;
	[sflag:s20] =	ssyncadd.s32 $0xFFFFC000;
	(pc) =	sbr.rel @p0 .LBB2_3-.Ltmp0, $4  }
0x41: {  	[spmem:s2] =	stream.indirect.scatter.add.f32 [tilespmem:s18], [sflag:$0x3], $0x80, s26, s16, $0xb8;
	[tilespmem:$0x1DC00] =	vst v63  }
0x42: {  	_ =	swait.ge [sflag:s14], $0x4000  }
0x43: {  	[sflag:s14] =	ssyncset.done $0x0  }
0x44: {  	s25 =	sadd.s32 $0x180, s25;
	[sflag:s14] =	ssyncadd.s32 $0xFFFFC000  }
0x45: {  	[tilespmem:s18], [sflag:$0x2] =	stream.indirect.gather [hbm4b:s4+s16], $0x80, s25, s16, $0xb8;
	[tilespmem:$0x1DC00] =	vst v63  }
0x46: {  	_ =	swait.ge [sflag:s19], $0x4000  }
0x47: {  	[sflag:s19] =	ssyncset.done $0x0  }
0x48: {  	[sflag:s19] =	ssyncadd.s32 $0xFFFFC000  }
0x49: {  	[spmem:s2] =	stream.indirect.scatter.add.f32 [tilespmem:s17], [sflag:$0x3], $0x80, s21, s16, $0xb8;
	[tilespmem:$0x1DC00] =	vst v63  }
0x4a: {  	_ =	swait.ge [sflag:s14], $0x4000  }
0x4b: {  	[sflag:s14] =	ssyncset.done $0x0  }
0x4c: {  	[sflag:s14] =	ssyncadd.s32 $0xFFFFC000  }
0x4d: {  	s23 =	sadd.s32 $0x1, s23;
	_ =	swait.ge [sflag:s20], $0x4000  }
0x4e: {  	p0 =	sne.s32 s23, $0x5;
	[sflag:s20] =	ssyncset.done $0x0  }
.Ltmp1:
0x4f: {  	[sflag:s20] =	ssyncadd.s32 $0xFFFFC000;
	(pc) =	sbr.rel @p0 .LBB2_2-.Ltmp1, $4  }
0x50: {  	[spmem:s2] =	stream.indirect.scatter.add.f32 [tilespmem:s18], [sflag:$0x3], $0x80, s22, s16, $0xb8;
	[tilespmem:$0x1DC00] =	vst v63  }
0x51: {  	_ =	swait.ge [sflag:s14], $0x4000  }
0x52: {  	[sflag:s14] =	ssyncset.done $0x0  }
0x53: {  	[sflag:s14] =	ssyncadd.s32 $0xFFFFC000  }
0x54: {  	s3 =	sadd.s32 $0x1, s3  }
0x55: {  	p0 =	sne.s32 s3, s12  }
.Ltmp2:
0x56: {  	[bflag:$0x0] =	sbarrier.arrive $0xFFFF;
	(pc) =	sbr.rel @p0 .LBB2_1-.Ltmp2, $4  }
0x57: {  	[hbm:s11], [sflag:s9] =	dma.local [spmem:s13], $0x2780  }
0x58: {  	_ =	swait.ge [sflag:s14], $0x2780  }
0x59: {  	[sflag:s14] =	ssyncset.done $0x0  }
0x5a: {  	[sflag:s14] =	ssyncadd.s32 $0xFFFFD880  }
0x5b: {  	_ =	sfence.sel $0x180000  }
0x5c: {  	[bflag:$0x0] =	sbarrier.arrive $0xFFFF  }
0x5d: {  	p0 =	sne.s32 s1, $0x0;
	_ =	strace $0x9000004D  }
0x5e: {  	s0 =	sadd.s32 @!p0 $0x100000, s0;
	[bflag:$0x2] =	sbarrier.arrive $0xFFFF  }
0x5f: {  	[sflag:s0] =	ssyncadd.tile.s32 @!p0 $0x1;
	_ =	shalt  }
.Lfunc_end2:
_tile_overlayer_lowered:
.L_overlay_start_2:
0x60: {  	(tag) =	ssettag $0x2  }
0x61: {  	s0 =	rddreg [dreg:$0x0];
	s2 =	stileid.u32  }
0x62: {  	s1 =	rddreg [dreg:$0x1];
	p0 =	sne.s32 s2, $0x0  }
0x63: {  	s3 =	rddreg [dreg:$0x2];
	[bflag:$0x3] =	sbarrier.arrive $0xFFFF;
	s2 =	simm.s32 @!p0 $0x1C03  }
0x64: {  	[timem:s3], [sflag:s2] =	dma.local @!p0 [hbm:s0], s1  }
0x65: {  	s0 =	simm.s32 @!p0 $0x3  }
0x66: {  	_ =	swait.ge @!p0 [sflag:s0], s1  }
0x67: {  	s1 =	ssub.s32 @!p0 $0x0, s1;
	[sflag:s0] =	ssyncset.done @!p0 $0x0  }
0x68: {  	[sflag:s0] =	ssyncadd.s32 @!p0 s1  }
0x69: {  	[bflag:$0x3] =	sbarrier.arrive $0xFFFF  }
0x6a: {  	_ =	shalt  }

// kernel: kernel.20.cloned.1.call-start
scs
__scs_entry_jumppad:
0x0: {  	(pc) =	sbr.rel $0x88, $3  }
0x1: {  	(tag) =	ssettag $0x0;
	lr =	simm.s32 $0x1  }
0x2: {  	[smem:$0x3F92] =	sst lr;
	_ =	strace $0xD0000000  }
0x3: {  	_ = 	snop  }
0x4: {  	_ = 	snop  }
0x5: {  	_ = 	snop  }
0x6: {  	_ = 	snop  }
0x7: {  	_ = 	snop  }
__scs_overlays_trampoline_lowered:
0x8: {  	[smem:$0x3FA1] =	sst s0  }
0x9: {  	[smem:$0x3FA2] =	sst s1  }
0xa: {  	[smem:$0x3FA3] =	sst s2  }
0xb: {  	[smem:$0x3FA4] =	sst s3  }
0xc: {  	[smem:$0x3FA5] =	sst s4  }
0xd: {  	[smem:$0x3FA6] =	sst s5  }
0xe: {  	[smem:$0x3FA7] =	sst s6  }
0xf: {  	[smem:$0x3FA8] =	sst s7  }
0x10: {  	[smem:$0x3FA9] =	sst s8  }
0x11: {  	[smem:$0x3FAA] =	sst s9;
	s0 =	simm.s32 @!p0 $0x0  }
0x12: {  	s1 =	sld [smem:$0x3F90];
	s0 =	simm.s32 @p0 $0x1  }
0x13: {  	[smem:$0x3FAB] =	sst s0;
	s0 =	simm.s32 @!p1 $0x0  }
0x14: {  	s2 =	sld [smem:$0x3F8F];
	s0 =	simm.s32 @p1 $0x1  }
0x15: {  	[smem:$0x3FAC] =	sst s0;
	s0 =	simm.s32 @!p2 $0x0  }
0x16: {  	s3 =	sld [smem:$0x3FDB];
	s0 =	simm.s32 @p2 $0x1  }
0x17: {  	s4 =	simm.s32 $0x1BF5;
	[smem:$0x3FAE] =	sst s0  }
0x18: {  	s0 =	sld [smem:$0x3F91];
	_ =	swait.ge [sflag:s4], $0x0  }
0x19: {  	s7 =	sld [smem:$0x3F92]  }
0x1a: {  	s8 =	sadd.s32 $0xFFFFE003, lr  }
0x1b: {  	s9 =	sadd.s32 $0xFFFFFEF7, lr;
	s5 =	simm.s32 $0xFFFFFFFF;
	p2 =	slt.u32 s8, $0xFFFFF086  }
0x1c: {  	p1 =	slt.u32 s9, $0xF7A;
	s5 =	simm.s32 @!p2 $0x0  }
0x1d: {  	s5 =	simm.s32 @p1 $0x1;
	p0 =	seq.s32 s7, s2  }
0x1e: {  	s7 =	smul.u32 @!p0 $0xF7A, s2;
	p2 =	seq.s32 @!p0 s5, $0x0  }
0x1f: {  	s9 =	smul.u32 $0xF7A, s1;
	s8 =	simm.s32 @!p0 $0x1BF5;
	p2 =	por !p2, p0  }
0x20: {  	[sflag:s8] =	ssyncset.s32 @!p0 $0xFFFFF086;
	s6 =	sadd.s32 @!p0 s3, s7;
	s7 =	simm.s32 @!p0 $0x108  }
0x21: {  	s3 =	sadd.s32 s3, s9;
	s6 =	sadd.s32 @!p0 $0x88, s6;
	s7 =	simm.s32 @p2 $0x1082  }
0x22: {  	[simem:s7], [sflag:s8] =	dma.local @!p0 [hbm:s6], $0xF7A  }
0x23: {  	s9 =	sor.u32 $0xD0000000, s2;
	s6 =	simm.s32 $0x108;
	_ =	swait.ge @!p0 [sflag:s8], $0x0  }
0x24: {  	s3 =	sadd.s32 $0x88, s3;
	s6 =	simm.s32 @!p1 $0x1082;
	[sflag:s4] =	ssyncset.s32 $0xFFFFF086  }
0x25: {  	[simem:s6], [sflag:s4] =	dma.local [hbm:s3], $0xF7A  }
0x26: {  	[smem:$0x3F92] =	sst s1;
	(tag) =	ssettag s2;
	_ =	strace s9  }
0x27: {  	s1 =	sld [smem:$0x3FA2]  }
0x28: {  	s2 =	sld [smem:$0x3FA3]  }
0x29: {  	s4 =	sld [smem:$0x3FA5]  }
0x2a: {  	p0 =	seq.s32 s5, $0x0;
	s5 =	sld [smem:$0x3FA6]  }
0x2b: {  	s6 =	sld [smem:$0x3FA7]  }
0x2c: {  	s7 =	sld [smem:$0x3FA8]  }
0x2d: {  	s3 =	simm.s32 $0x108;
	s8 =	sld [smem:$0x3FA9]  }
0x2e: {  	s3 =	simm.s32 @!p0 $0x1082;
	s9 =	sld [smem:$0x3FAA]  }
0x2f: {  	lr =	sadd.s32 s0, s3;
	s0 =	sld [smem:$0x3FA1]  }
0x30: {  	s3 =	sld [smem:$0x3FA4]  }
0x31: {  	[smem:$0x3FAD] =	sst s10  }
0x32: {  	s10 =	sld [smem:$0x3FAB];
	_ =	sdelay $0x3  }
0x33: {  	p0 =	seq.s32 s10, $0x1;
	s10 =	sld [smem:$0x3FAD];
	_ =	sdelay $0x3  }
0x34: {  	[smem:$0x3FAD] =	sst s10  }
0x35: {  	s10 =	sld [smem:$0x3FAC];
	_ =	sdelay $0x3  }
0x36: {  	p1 =	seq.s32 s10, $0x1;
	s10 =	sld [smem:$0x3FAD];
	_ =	sdelay $0x3  }
0x37: {  	[smem:$0x3FAD] =	sst s10  }
0x38: {  	s10 =	sld [smem:$0x3FAE]  }
0x39: {  	_ = 	snop;
	(pc) =	sbr.ind lr, $3  }
0x3a: {  	_ = 	snop  }
0x3b: {  	_ = 	snop  }
0x3c: {  	p2 =	seq.s32 s10, $0x1;
	s10 =	sld [smem:$0x3FAD]  }
0x3d: {  	_ =	shalt  }
0x3e: {  	_ =	shalt  }
0x3f: {  	_ =	shalt  }
0x40: {  	_ =	shalt  }
0x41: {  	_ =	shalt  }
0x42: {  	_ =	shalt  }
0x43: {  	_ =	shalt  }
0x44: {  	_ =	shalt  }
0x45: {  	_ =	shalt  }
0x46: {  	_ =	shalt  }
0x47: {  	_ =	shalt  }
0x48: {  	_ =	shalt  }
0x49: {  	_ =	shalt  }
0x4a: {  	_ =	shalt  }
0x4b: {  	_ =	shalt  }
0x4c: {  	_ =	shalt  }
0x4d: {  	_ =	shalt  }
0x4e: {  	_ =	shalt  }
0x4f: {  	_ =	shalt  }
0x50: {  	_ =	shalt  }
0x51: {  	_ =	shalt  }
0x52: {  	_ =	shalt  }
0x53: {  	_ =	shalt  }
0x54: {  	_ =	shalt  }
0x55: {  	_ =	shalt  }
0x56: {  	_ =	shalt  }
0x57: {  	_ =	shalt  }
0x58: {  	_ =	shalt  }
0x59: {  	_ =	shalt  }
0x5a: {  	_ =	shalt  }
0x5b: {  	_ =	shalt  }
0x5c: {  	_ =	shalt  }
0x5d: {  	_ =	shalt  }
0x5e: {  	_ =	shalt  }
0x5f: {  	_ =	shalt  }
0x60: {  	_ =	shalt  }
0x61: {  	_ =	shalt  }
0x62: {  	_ =	shalt  }
0x63: {  	_ =	shalt  }
0x64: {  	_ =	shalt  }
0x65: {  	_ =	shalt  }
0x66: {  	_ =	shalt  }
0x67: {  	_ =	shalt  }
0x68: {  	_ =	shalt  }
0x69: {  	_ =	shalt  }
0x6a: {  	_ =	shalt  }
0x6b: {  	_ =	shalt  }
0x6c: {  	_ =	shalt  }
0x6d: {  	_ =	shalt  }
0x6e: {  	_ =	shalt  }
0x6f: {  	_ =	shalt  }
0x70: {  	_ =	shalt  }
0x71: {  	_ =	shalt  }
0x72: {  	_ =	shalt  }
0x73: {  	_ =	shalt  }
0x74: {  	_ =	shalt  }
0x75: {  	_ =	shalt  }
0x76: {  	_ =	shalt  }
0x77: {  	_ =	shalt  }
0x78: {  	_ =	shalt  }
0x79: {  	_ =	shalt  }
0x7a: {  	_ =	shalt  }
0x7b: {  	_ =	shalt  }
0x7c: {  	_ =	shalt  }
0x7d: {  	_ =	shalt  }
0x7e: {  	_ =	shalt  }
0x7f: {  	_ =	shalt  }
0x80: {  	_ =	shalt  }
0x81: {  	_ =	shalt  }
0x82: {  	_ =	shalt  }
0x83: {  	_ =	shalt  }
0x84: {  	_ =	shalt  }
0x85: {  	_ =	shalt  }
0x86: {  	_ =	shalt  }
0x87: {  	_ =	shalt  }
.Lfunc_end0:
.L_simem_size_0:
called_computation.3_lowered:
.L_overlay_start_0:
0x88: {  	s2 =	sld [smem:$0x3FD9]  }
0x89: {  	s3 =	sld [smem:$0x3FFE];
	_ =	sdelay $0x1  }
0x8a: {  	s1 =	srdreg.scid  }
0x8b: {  	s0 =	sand.u32 $0x1, s1  }
0x8c: {  	s16 =	sshll.u32 s0, $0xA;
	s2 =	sadd.s32 s3, s2  }
0x8d: {  	s2 =	sadd.s32 s2, s16  }
0x8e: {  	[smem:$0x3FB9] =	sst s2  }
0x8f: {  	_ = 	snop  }
0x90: {  	(tm) =	ssettm $0x1  }
0x91: {  	s17 =	sld [smem:$0x3FFB];
	_ =	sdelay $0x3  }
0x92: {  	_ =	strace s17  }
0x93: {  	s2 =	sld [smem:$0x3FFC];
	_ =	sdelay $0x3  }
0x94: {  	_ =	strace s2  }
0x95: {  	s2 =	sld [smem:$0x3FFD];
	_ =	sdelay $0x3  }
0x96: {  	_ =	strace s2  }
0x97: {  	_ =	strace $0x8FFFFFFF  }
0x98: {  	s18 =	sld [smem:$0x3FDB];
	_ =	sdelay $0x1  }
0x99: {  	s19 =	simm.s32 $_scs_section_size  }
0x9a: {  	s4 =	simm.s32 $_size__tile_overlayer_lowered;
	s5 =	simm.s32 $_tile_overlayer_lowered  }
0x9b: {  	s22 =	simm.s32 $0x1BFF;
	s21 =	sshll.u32 s5, $0x1;
	s2 =	sadd.s32 s19, s18  }
0x9c: {  	s6 =	simm.s32 $0x0;
	s20 =	sshll.u32 s4, $0x1;
	s4 =	sadd.s32 s21, s2  }
0x9d: {  	[timem:s6], [sflag:s22] =	dma.local [hbm:s4], s20  }
0x9e: {  	_ =	swait.ge [sflag:s22], s20  }
0x9f: {  	s3 =	ssub.s32 $0x0, s20;
	[sflag:s22] =	ssyncset.done $0x0  }
0xa0: {  	[sflag:s22] =	ssyncadd.s32 s3;
	_ =	sdelay $0x1  }
0xa1: {  	s23 =	simm.s32 $0x1B8B  }
0xa2: {  	_ =	swait.ge [sflag:s23], $0x1  }
0xa3: {  	[sflag:s23] =	ssyncset.done $0x0  }
0xa4: {  	s25 =	simm.s32 $0x1B8E;
	s24 =	sld [smem:$0x3FFE];
	[sflag:s23] =	ssyncadd.s32 $0xFFFFFFFF  }
0xa5: {  	s26 =	simm.s32 $execute0_lowered;
	[smem:$0x3FD2] =	sst s25  }
0xa6: {  	s4 =	sshll.u32 s26, $0x1;
	_ =	strace $0x8000004F;
	[dreg:$0x1] =	wrdreg $0xFFFFFFFF  }
0xa7: {  	s28 =	simm.s32 $_size_execute0_lowered;
	s2 =	sadd.s32 s2, s4;
	[dreg:$0x0] =	wrdreg $0x0  }
0xa8: {  	s4 =	sshll.u32 s28, $0x1;
	[dreg:$0x2] =	wrdreg s2  }
0xa9: {  	[dreg:$0x3] =	wrdreg s4  }
0xaa: {  	[dreg:$0x4] =	wrdreg $0xC0  }
0xab: {  	_ =	task [dreg:s6], $0x5FFFF  }
0xac: {  	[dreg:$0x1] =	wrdreg $0xFFFFFFFF  }
0xad: {  	[dreg:$0x0] =	wrdreg $0x60  }
0xae: {  	[dreg:$0x2] =	wrdreg s24  }
0xaf: {  	[dreg:$0x3] =	wrdreg $0xA0000  }
0xb0: {  	[dreg:$0x4] =	wrdreg $0x9  }
0xb1: {  	_ =	task.clear_ibuf [dreg:s6], $0x5FFFF;
	_ =	strace $0x9000004F  }
0xb2: {  	s29 =	simm.s32 $0x9;
	_ =	strace $0x80000051  }
0xb3: {  	_ =	swait.ge [sflag:s29], $0x1  }
0xb4: {  	[sflag:s29] =	ssyncadd.s32 $0xFFFFFFFF  }
0xb5: {  	_ =	strace $0x90000051  }
0xb6: {  	_ =	sfence  }
0xb7: {  	s30 =	sld [smem:$0x0];
	_ =	sdelay $0x2  }
0xb8: {  	s31 =	sshll.u32 s1, $0xD;
	s1 =	sshrl.u32 s1, $0x2  }
0xb9: {  	s3 =	sand.u32 $0x4000, s31;
	s1 =	sadd.s32 s1, s30  }
0xba: {  	s0 =	sor.u32 s3, s0;
	s1 =	sshll.u32 s1, $0x11  }
0xbb: {  	s0 =	sor.u32 s1, s0  }
0xbc: {  	s0 =	sadd.s32 $0x8F2B, s0  }
0xbd: {  	[sflag:s0] =	ssyncadd.remote.s32 $0x1  }
0xbe: {  	_ =	sfence.sel $0xFFFF  }
0xbf: {  	[dreg:$0x0] =	wrdreg $0xFFFFFFFF;
	(pc) =	sbr.abs _section_cstart, $3  }
0xc0: {  	[dreg:$0x1] =	wrdreg $0xFFFFFFFF  }
0xc1: {  	_ =	task.clear_ibuf [dreg:s6], $0x2FFFF;
	_ =	strace $0x9FFFFFFF  }
0xc2: {  	(tm) =	ssettm $0x7FFFFFFF  }
0xc3: {  	_ =	shalt  }
tec
execute0_lowered:
.L_overlay_start_1:
0x0: {  	(tag) =	ssettag $0x1  }
0x1: {  	s7 =	rddreg [dreg:$0x0]  }
0x2: {  	s2 =	rddreg [dreg:$0x1]  }
0x3: {  	s0 =	rddreg [dreg:$0x2];
	s1 =	stileid.u32  }
0x4: {  	s4 =	srdreg.scid;
	s3 =	simm.s32 $0x0;
	s16 =	simm.s32 $0x80  }
0x5: {  	s17 =	simm.s32 $0x2000;
	s18 =	simm.s32 $0x6000;
	s19 =	simm.s32 $0x1  }
0x6: {  	s20 =	simm.s32 $0x2;
	s21 =	simm.s32 $0x1F00;
	s22 =	simm.s32 $0x1F80  }
0x7: {  	s8 =	smul.u32 $0x13C00, s1;
	s9 =	sand.u32 $0x1, s4;
	[smem:$0x7FF] =	sst s3  }
0x8: {  	s4 =	sadd.s32 $0x34400, s7;
	s5 =	sadd.s32 $0x8DC00, s7;
	s28 =	smul.u32 $0x4F000, s1  }
0x9: {  	s6 =	sadd.s32 $0x83C00, s7;
	s31 =	sshll.u32 s1, $0x6;
	s10 =	smul.u32 $0x13C000, s9  }
0xa: {  	_ =	strace $0x80000050;
	s29 =	ssub.s32 $0x2, s9;
	s13 =	smul.u32 $0x50000, s9  }
0xb: {  	s9 =	sor.u32 $0x1C03, s31;
	s11 =	sshrl.u32 s8, $0x3;
	s30 =	sshrl.u32 s29, $0x1  }
0xc: {  	s8 =	sadd.s32 s8, s10;
	s26 =	sadd.s32 s11, s7;
	s11 =	sshrl.u32 s28, $0x2  }
0xd: {  	s14 =	ssub.s32 s29, s30;
	s8 =	sshrl.u32 s8, $0x3;
	s15 =	sadd.s32 s11, s2  }
0xe: {  	s12 =	sadd.s32 s8, s7;
	s7 =	smul.u32 $0x5000, s1;
	s8 =	sadd.s32 $0xCC00, s26  }
0xf: {  	s11 =	sadd.s32 $0xEFE00, s12;
	s12 =	smax.u32 s14, $0x1;
	s14 =	simm.s32 $0x3  }
0x10: {  	s10 =	sadd.s32 s13, s7;
	s13 =	sshrl.u32 s15, $0x3;
	s15 =	simm.s32 $0x1000  }
.LBB2_1:
0x11: {  	[spmem:s13], [sflag:s9] =	dma.local [hbm:s8], $0x2780  }
0x12: {  	_ =	swait.ge [sflag:s14], $0x2780  }
0x13: {  	[sflag:s14] =	ssyncset.done $0x0  }
0x14: {  	[sflag:s14] =	ssyncadd.s32 $0xFFFFD880  }
0x15: {  	s23 =	simm.s32 $0x0;
	[bflag:$0x0] =	sbarrier.arrive $0xFFFF  }
.LBB2_2:
0x16: {  	s24 =	sshll.u32 s23, $0xC  }
0x17: {  	s25 =	sadd.s32 s10, s24  }
0x18: {  	s25 =	sshrl.u32 s25, $0x3  }
0x19: {  	s26 =	simm.s32 $0x0;
	s25 =	sadd.s32 s5, s25  }
0x1a: {  	[tilespmem:s26], [sflag:$0x3] =	stream.linear.gather [hbm4b:s25+s26], $0x1000, $0x38;
	[tilespmem:$0x1DC00] =	vst v63  }
0x1b: {  	s24 =	sadd.s32 s7, s24;
	_ =	swait.ge [sflag:s14], $0x1000  }
0x1c: {  	s24 =	sshrl.u32 s24, $0x3;
	[sflag:s14] =	ssyncset.done $0x0  }
0x1d: {  	s24 =	sadd.s32 s6, s24;
	[sflag:s14] =	ssyncadd.s32 $0xFFFFF000  }
0x1e: {  	[tilespmem:s15], [sflag:$0x3] =	stream.linear.gather [hbm4b:s24+s26], $0x1000, $0x38;
	[tilespmem:$0x1DC00] =	vst v63  }
0x1f: {  	_ =	swait.ge [sflag:s14], $0x1000  }
0x20: {  	[sflag:s14] =	ssyncset.done $0x0  }
0x21: {  	[sflag:s14] =	ssyncadd.s32 $0xFFFFF000  }
0x22: {  	[tilespmem:s17], [sflag:$0x1] =	stream.indirect.gather [hbm4b:s4+s16], $0x80, s26, s16, $0xb8;
	[tilespmem:$0x1DC00] =	vst v63  }
0x23: {  	_ = 	snop  }
0x24: {  	[tilespmem:s18], [sflag:$0x2] =	stream.indirect.gather [hbm4b:s4+s16], $0x80, s16, s16, $0xb8;
	[tilespmem:$0x1DC00] =	vst v63  }
0x25: {  	_ =	swait.ge [sflag:s19], $0x4000  }
0x26: {  	[sflag:s19] =	ssyncset.done $0x0  }
0x27: {  	s29 =	simm.s32 $0x1000;
	[sflag:s19] =	ssyncadd.s32 $0xFFFFC000  }
0x28: {  	[spmem:s2] =	stream.indirect.scatter.add.f32 [tilespmem:s17], [sflag:$0x3], $0x80, s29, s16, $0xb8;
	[tilespmem:$0x1DC00] =	vst v63  }
0x29: {  	_ =	swait.ge [sflag:s14], $0x4000  }
0x2a: {  	[sflag:s14] =	ssyncset.done $0x0  }
0x2b: {  	s30 =	simm.s32 $0x100;
	[sflag:s14] =	ssyncadd.s32 $0xFFFFC000  }
0x2c: {  	[tilespmem:s17], [sflag:$0x1] =	stream.indirect.gather [hbm4b:s4+s16], $0x80, s30, s16, $0xb8;
	[tilespmem:$0x1DC00] =	vst v63  }
0x2d: {  	_ =	swait.ge [sflag:s20], $0x4000  }
0x2e: {  	[sflag:s20] =	ssyncset.done $0x0  }
0x2f: {  	s31 =	simm.s32 $0x1080;
	[sflag:s20] =	ssyncadd.s32 $0xFFFFC000  }
0x30: {  	[spmem:s2] =	stream.indirect.scatter.add.f32 [tilespmem:s18], [sflag:$0x3], $0x80, s31, s16, $0xb8;
	[tilespmem:$0x1DC00] =	vst v63  }
0x31: {  	_ =	swait.ge [sflag:s14], $0x4000  }
0x32: {  	[sflag:s14] =	ssyncset.done $0x0  }
0x33: {  	s25 =	simm.s32 $0x180;
	s24 =	simm.s32 $0x400;
	[sflag:s14] =	ssyncadd.s32 $0xFFFFC000  }
.LBB2_3:
0x34: {  	[tilespmem:s18], [sflag:$0x2] =	stream.indirect.gather [hbm4b:s4+s16], $0x80, s25, s16, $0xb8;
	[tilespmem:$0x1DC00] =	vst v63  }
0x35: {  	s25 =	smov.u32 s24  }
0x36: {  	p0 =	sne.s32 s24, $0x3800;
	s24 =	sadd.s32 $0x400, s24;
	_ =	swait.ge [sflag:s19], $0x4000  }
0x37: {  	s25 =	sshra.s32 s25, $0x2;
	[sflag:s19] =	ssyncset.done $0x0  }
0x38: {  	s26 =	sadd.s32 $0x1000, s25;
	[sflag:s19] =	ssyncadd.s32 $0xFFFFC000  }
0x39: {  	[spmem:s2] =	stream.indirect.scatter.add.f32 [tilespmem:s17], [sflag:$0x3], $0x80, s26, s16, $0xb8;
	[tilespmem:$0x1DC00] =	vst v63  }
0x3a: {  	_ =	swait.ge [sflag:s14], $0x4000  }
0x3b: {  	[sflag:s14] =	ssyncset.done $0x0  }
0x3c: {  	s26 =	sadd.s32 $0x100, s25;
	[sflag:s14] =	ssyncadd.s32 $0xFFFFC000  }
0x3d: {  	[tilespmem:s17], [sflag:$0x1] =	stream.indirect.gather [hbm4b:s4+s16], $0x80, s26, s16, $0xb8;
	[tilespmem:$0x1DC00] =	vst v63  }
0x3e: {  	_ =	swait.ge [sflag:s20], $0x4000  }
0x3f: {  	[sflag:s20] =	ssyncset.done $0x0  }
.Ltmp0:
0x40: {  	s26 =	sadd.s32 $0x1080, s25;
	[sflag:s20] =	ssyncadd.s32 $0xFFFFC000;
	(pc) =	sbr.rel @p0 .LBB2_3-.Ltmp0, $4  }
0x41: {  	[spmem:s2] =	stream.indirect.scatter.add.f32 [tilespmem:s18], [sflag:$0x3], $0x80, s26, s16, $0xb8;
	[tilespmem:$0x1DC00] =	vst v63  }
0x42: {  	_ =	swait.ge [sflag:s14], $0x4000  }
0x43: {  	[sflag:s14] =	ssyncset.done $0x0  }
0x44: {  	s25 =	sadd.s32 $0x180, s25;
	[sflag:s14] =	ssyncadd.s32 $0xFFFFC000  }
0x45: {  	[tilespmem:s18], [sflag:$0x2] =	stream.indirect.gather [hbm4b:s4+s16], $0x80, s25, s16, $0xb8;
	[tilespmem:$0x1DC00] =	vst v63  }
0x46: {  	_ =	swait.ge [sflag:s19], $0x4000  }
0x47: {  	[sflag:s19] =	ssyncset.done $0x0  }
0x48: {  	[sflag:s19] =	ssyncadd.s32 $0xFFFFC000  }
0x49: {  	[spmem:s2] =	stream.indirect.scatter.add.f32 [tilespmem:s17], [sflag:$0x3], $0x80, s21, s16, $0xb8;
	[tilespmem:$0x1DC00] =	vst v63  }
0x4a: {  	_ =	swait.ge [sflag:s14], $0x4000  }
0x4b: {  	[sflag:s14] =	ssyncset.done $0x0  }
0x4c: {  	[sflag:s14] =	ssyncadd.s32 $0xFFFFC000  }
0x4d: {  	s23 =	sadd.s32 $0x1, s23;
	_ =	swait.ge [sflag:s20], $0x4000  }
0x4e: {  	p0 =	sne.s32 s23, $0x5;
	[sflag:s20] =	ssyncset.done $0x0  }
.Ltmp1:
0x4f: {  	[sflag:s20] =	ssyncadd.s32 $0xFFFFC000;
	(pc) =	sbr.rel @p0 .LBB2_2-.Ltmp1, $4  }
0x50: {  	[spmem:s2] =	stream.indirect.scatter.add.f32 [tilespmem:s18], [sflag:$0x3], $0x80, s22, s16, $0xb8;
	[tilespmem:$0x1DC00] =	vst v63  }
0x51: {  	_ =	swait.ge [sflag:s14], $0x4000  }
0x52: {  	[sflag:s14] =	ssyncset.done $0x0  }
0x53: {  	[sflag:s14] =	ssyncadd.s32 $0xFFFFC000  }
0x54: {  	s3 =	sadd.s32 $0x1, s3  }
0x55: {  	p0 =	sne.s32 s3, s12  }
.Ltmp2:
0x56: {  	[bflag:$0x0] =	sbarrier.arrive $0xFFFF;
	(pc) =	sbr.rel @p0 .LBB2_1-.Ltmp2, $4  }
0x57: {  	[hbm:s11], [sflag:s9] =	dma.local [spmem:s13], $0x2780  }
0x58: {  	_ =	swait.ge [sflag:s14], $0x2780  }
0x59: {  	[sflag:s14] =	ssyncset.done $0x0  }
0x5a: {  	[sflag:s14] =	ssyncadd.s32 $0xFFFFD880  }
0x5b: {  	_ =	sfence.sel $0x180000  }
0x5c: {  	[bflag:$0x0] =	sbarrier.arrive $0xFFFF  }
0x5d: {  	p0 =	sne.s32 s1, $0x0;
	_ =	strace $0x90000050  }
0x5e: {  	s0 =	sadd.s32 @!p0 $0x100000, s0;
	[bflag:$0x2] =	sbarrier.arrive $0xFFFF  }
0x5f: {  	[sflag:s0] =	ssyncadd.tile.s32 @!p0 $0x1;
	_ =	shalt  }
.Lfunc_end2:
_tile_overlayer_lowered:
.L_overlay_start_2:
0x60: {  	(tag) =	ssettag $0x2  }
0x61: {  	s0 =	rddreg [dreg:$0x0];
	s2 =	stileid.u32  }
0x62: {  	s1 =	rddreg [dreg:$0x1];
	p0 =	sne.s32 s2, $0x0  }
0x63: {  	s3 =	rddreg [dreg:$0x2];
	[bflag:$0x3] =	sbarrier.arrive $0xFFFF;
	s2 =	simm.s32 @!p0 $0x1C03  }
0x64: {  	[timem:s3], [sflag:s2] =	dma.local @!p0 [hbm:s0], s1  }
0x65: {  	s0 =	simm.s32 @!p0 $0x3  }
0x66: {  	_ =	swait.ge @!p0 [sflag:s0], s1  }
0x67: {  	s1 =	ssub.s32 @!p0 $0x0, s1;
	[sflag:s0] =	ssyncset.done @!p0 $0x0  }
0x68: {  	[sflag:s0] =	ssyncadd.s32 @!p0 s1  }
0x69: {  	[bflag:$0x3] =	sbarrier.arrive $0xFFFF  }
0x6a: {  	_ =	shalt  }

</sc_bundles>
